<compile_context>
chip_gen: v7x
topology: tpu7x:2x2x1
jax: 0.10.2.dev20260603
libtpu: 0.0.44.dev20260713+nightly
codegen_flags: <defaults>
</compile_context>

<pallas_src>
import functools

import jax
import jax.numpy as jnp
from jax import lax
from jax.experimental import pallas as pl
from jax.experimental.pallas import tpu as pltpu
from jax.experimental.pallas import tpu_sc as plsc

N, E, G, H = 10000, 320000, 256, 128
NC, NS = 2, 16
NW = NC * NS
EPW = E // NW
CH = 80
NCHUNK = EPW // CH


def _silu(x):
    return x * (1.0 / (1.0 + jnp.exp(-x)))


def _tc_prologue(nf, w_src, w_dst, lip16, w_lip16, b_e1):
    def body(nf_ref, ws_ref, wd_ref, lip_ref, wl_ref, be1_ref,
             psrc_ref, pdst_ref, lipb_ref):
        nfv = nf_ref[...]
        psrc_ref[...] = jnp.dot(nfv, ws_ref[...], preferred_element_type=jnp.float32)
        pdst_ref[...] = jnp.dot(nfv, wd_ref[...], preferred_element_type=jnp.float32)
        lipb_ref[...] = (jnp.dot(lip_ref[...], wl_ref[...],
                                 preferred_element_type=jnp.float32)
                         + be1_ref[...])

    return pl.pallas_call(
        body,
        out_shape=(
            jax.ShapeDtypeStruct((N, H), jnp.float32),
            jax.ShapeDtypeStruct((N, H), jnp.float32),
            jax.ShapeDtypeStruct((G, H), jnp.float32),
        ),
    )(nf, w_src, w_dst, lip16, w_lip16, b_e1)


def _sc_gather(psrc, pdst, frac, srcix, dstix):
    mesh = plsc.VectorSubcoreMesh(core_axis_name="c", subcore_axis_name="s")

    @functools.partial(
        pl.kernel,
        out_type=(
            jax.ShapeDtypeStruct((E, H), jnp.float32),
            jax.ShapeDtypeStruct((E * 8,), jnp.float32),
        ),
        mesh=mesh,
        compiler_params=pltpu.CompilerParams(needs_layout_passes=False),
        scratch_types=[
            pltpu.VMEM((CH,), jnp.int32),
            pltpu.VMEM((CH,), jnp.int32),
            pltpu.VMEM((CH, H), jnp.float32),
            pltpu.VMEM((CH, H), jnp.float32),
            pltpu.VMEM((N * 3,), jnp.float32),
            pltpu.VMEM((CH * 8,), jnp.float32),
            pltpu.SemaphoreType.DMA,
            pltpu.SemaphoreType.DMA,
        ],
    )
    def gk(psrc_hbm, pdst_hbm, frac_hbm, six_hbm, dix_hbm,
           pe_out, fd_out, isv, idv, rsv, rdv, fracv, fdv, sem1, sem2):
        wid = lax.axis_index("c") * NS + lax.axis_index("s")
        base0 = wid * EPW
        pltpu.sync_copy(frac_hbm, fracv)

        zero16 = jnp.zeros((16,), jnp.float32)
        lane = lax.iota(jnp.int32, 16)

        def zgrp(t, _):
            fdv[pl.ds(t * 16, 16)] = zero16
            return _

        lax.fori_loop(0, CH * 8 // 16, zgrp, 0)

        def chunk(i, _):
            base = base0 + i * CH
            pltpu.sync_copy(six_hbm.at[pl.ds(base, CH)], isv)
            pltpu.sync_copy(dix_hbm.at[pl.ds(base, CH)], idv)
            cp1 = pltpu.async_copy(psrc_hbm.at[isv], rsv, sem1)
            cp2 = pltpu.async_copy(pdst_hbm.at[idv], rdv, sem2)
            cp1.wait()
            cp2.wait()
            for g in range(CH // 16):
                sl = pl.ds(g * 16, 16)
                rs_ix = isv[sl] * 3
                rd_ix = idv[sl] * 3
                rows8 = (lane + g * 16) * 8
                for c in range(3):
                    fs = plsc.load_gather(fracv, [rs_ix + c])
                    fdd = plsc.load_gather(fracv, [rd_ix + c])
                    d = fdd - fs
                    d = jnp.where(d < 0.0, d + 1.0, d)
                    plsc.store_scatter(fdv, [rows8 + c], d)
            def addrow(r, _):
                for c in range(H // 16):
                    sl2 = pl.ds(c * 16, 16)
                    rsv[r, sl2] = rsv[r, sl2] + rdv[r, sl2]
                return _
            lax.fori_loop(0, CH, addrow, 0)
            pltpu.sync_copy(rsv, pe_out.at[pl.ds(base, CH)])
            pltpu.sync_copy(fdv, fd_out.at[pl.ds(base * 8, CH * 8)])
            return _

        lax.fori_loop(0, NCHUNK, chunk, 0)

    pe, fd_flat = gk(psrc, pdst, frac.reshape(-1), srcix, dstix)
    return pe, fd_flat.reshape(E, 8)


def _tc_edge_mlp(pe, fd, e2g3, lipb, w_fd8, w_e2, b_e2):
    BE = 1280
    GRID = E // BE

    def body(pe_ref, fd_ref, e2g_ref, lipb_ref, wfd_ref, we2_ref, be2_ref, ef_ref):
        gids = e2g_ref[0, 0, :].reshape(BE, 1)
        giota = lax.broadcasted_iota(jnp.int32, (BE, G), 1)
        onehot = jnp.where(gids == giota, 1.0, 0.0).astype(jnp.bfloat16)
        x = (pe_ref[...]
             + jnp.dot(onehot, lipb_ref[...].astype(jnp.bfloat16),
                       preferred_element_type=jnp.float32)
             + jnp.dot(fd_ref[...], wfd_ref[...], preferred_element_type=jnp.float32))
        h = _silu(x).astype(jnp.bfloat16)
        y = (jnp.dot(h, we2_ref[...].astype(jnp.bfloat16),
                     preferred_element_type=jnp.float32) + be2_ref[...])
        ef_ref[...] = _silu(y)

    return pl.pallas_call(
        body,
        grid=(GRID,),
        in_specs=[
            pl.BlockSpec((BE, H), lambda i: (i, 0)),
            pl.BlockSpec((BE, 8), lambda i: (i, 0)),
            pl.BlockSpec((1, 1, BE), lambda i: (i, 0, 0)),
            pl.BlockSpec((G, H), lambda i: (0, 0)),
            pl.BlockSpec((8, H), lambda i: (0, 0)),
            pl.BlockSpec((H, H), lambda i: (0, 0)),
            pl.BlockSpec((1, H), lambda i: (0, 0)),
        ],
        out_specs=pl.BlockSpec((BE, H), lambda i: (i, 0)),
        out_shape=jax.ShapeDtypeStruct((E, H), jnp.float32),
    )(pe, fd, e2g3, lipb, w_fd8, w_e2, b_e2)


def _sc_scatter(ef, srcix):
    mesh = plsc.VectorSubcoreMesh(core_axis_name="c", subcore_axis_name="s")
    ZR = 80
    NZC = N // ZR

    @functools.partial(
        pl.kernel,
        out_type=(
            jax.ShapeDtypeStruct((NC, N, H), jnp.float32),
            jax.ShapeDtypeStruct((NC * N,), jnp.float32),
        ),
        mesh=mesh,
        compiler_params=pltpu.CompilerParams(needs_layout_passes=False),
        scratch_types=[
            pltpu.VMEM((CH,), jnp.int32),
            pltpu.VMEM((CH, H), jnp.float32),
            pltpu.VMEM((CH,), jnp.float32),
            pltpu.VMEM((ZR, H), jnp.float32),
            pltpu.VMEM((400,), jnp.float32),
            pltpu.VMEM_SHARED((N, H), jnp.float32),
            pltpu.VMEM_SHARED((N,), jnp.float32),
        ],
    )
    def sk(ef_hbm, six_hbm, sums_out, cnt_out,
           ixv, updv, onesv, zv, zc, accs, cnts):
        cid = lax.axis_index("c")
        sid = lax.axis_index("s")
        zero16 = jnp.zeros((16,), jnp.float32)
        one16 = jnp.ones((16,), jnp.float32)

        def zrow(r, _):
            for c in range(H // 16):
                zv[r, pl.ds(c * 16, 16)] = zero16
            return _
        lax.fori_loop(0, ZR, zrow, 0)

        def zc_fill(t, _):
            zc[pl.ds(t * 16, 16)] = zero16
            return _
        lax.fori_loop(0, 400 // 16, zc_fill, 0)

        def ones_fill(t, _):
            onesv[pl.ds(t * 16, 16)] = one16
            return _
        lax.fori_loop(0, CH // 16, ones_fill, 0)

        def zacc(j, carry):
            k = sid + j * NS

            @pl.when(k < NZC)
            def _zc():
                pltpu.sync_copy(zv, accs.at[pl.ds(k * ZR, ZR)])
            return carry
        lax.fori_loop(0, (NZC + NS - 1) // NS, zacc, 0)

        @pl.when(sid == 0)
        def _():
            def zcnt(k, _):
                pltpu.sync_copy(zc, cnts.at[pl.ds(k * 400, 400)])
                return _
            lax.fori_loop(0, N // 400, zcnt, 0)

        plsc.subcore_barrier()

        def chunk(i, _):
            base = (cid * NS + sid) * EPW + i * CH
            pltpu.sync_copy(six_hbm.at[pl.ds(base, CH)], ixv)
            pltpu.sync_copy(ef_hbm.at[pl.ds(base, CH)], updv)
            pltpu.sync_copy(updv, accs.at[ixv], add=True)
            pltpu.sync_copy(onesv, cnts.at[ixv], add=True)
            return _
        lax.fori_loop(0, NCHUNK, chunk, 0)

        plsc.subcore_barrier()

        def wacc(j, carry):
            k = sid + j * NS

            @pl.when(k < NZC)
            def _wc():
                sl = pl.ds(k * ZR, ZR)
                pltpu.sync_copy(accs.at[sl], zv)
                pltpu.sync_copy(zv, sums_out.at[cid, sl])
            return carry
        lax.fori_loop(0, (NZC + NS - 1) // NS, wacc, 0)

        @pl.when(sid == 0)
        def _():
            def wcnt(k, _):
                pltpu.sync_copy(cnts.at[pl.ds(k * 400, 400)], zc)
                pltpu.sync_copy(zc, cnt_out.at[pl.ds(cid * N + k * 400, 400)])
                return _
            lax.fori_loop(0, N // 400, wcnt, 0)

    sums, cnt_flat = sk(ef, srcix)
    return sums, cnt_flat.reshape(NC, N, 1)


def _tc_epilogue(nf, sums, cnt, w_n1a, w_n1b, b_n1, w_n2, b_n2):
    BN = 1000
    GRID = N // BN

    def body(nf_ref, sums_ref, cnt_ref, wa_ref, wb_ref, bn1_ref, wn2_ref, bn2_ref, out_ref):
        s = sums_ref[0].astype(jnp.float32) + sums_ref[1].astype(jnp.float32)
        c = cnt_ref[0, :, 0] + cnt_ref[1, :, 0]
        agg = s / jnp.maximum(c, 1.0).reshape(BN, 1)
        nfv = nf_ref[...]
        h2 = _silu(jnp.dot(nfv, wa_ref[...], preferred_element_type=jnp.float32)
                   + jnp.dot(agg, wb_ref[...], preferred_element_type=jnp.float32)
                   + bn1_ref[...])
        out_ref[...] = nfv + _silu(
            jnp.dot(h2, wn2_ref[...], preferred_element_type=jnp.float32) + bn2_ref[...])

    return pl.pallas_call(
        body,
        grid=(GRID,),
        in_specs=[
            pl.BlockSpec((BN, H), lambda i: (i, 0)),
            pl.BlockSpec((NC, BN, H), lambda i: (0, i, 0)),
            pl.BlockSpec((NC, BN, 1), lambda i: (0, i, 0)),
            pl.BlockSpec((H, H), lambda i: (0, 0)),
            pl.BlockSpec((H, H), lambda i: (0, 0)),
            pl.BlockSpec((1, H), lambda i: (0, 0)),
            pl.BlockSpec((H, H), lambda i: (0, 0)),
            pl.BlockSpec((1, H), lambda i: (0, 0)),
        ],
        out_specs=pl.BlockSpec((BN, H), lambda i: (i, 0)),
        out_shape=jax.ShapeDtypeStruct((N, H), jnp.float32),
    )(nf, sums, cnt, w_n1a, w_n1b, b_n1, w_n2, b_n2)


def kernel(node_features, frac_coords, lattices, edge_index, edge2graph,
           W_e1, b_e1, W_e2, b_e2, W_n1, b_n1, W_n2, b_n2):
    src = edge_index[0]
    dst = edge_index[1]

    lattice_ips = jnp.matmul(lattices, jnp.swapaxes(lattices, -1, -2))
    lip16 = jnp.pad(lattice_ips.reshape(G, 9), ((0, 0), (0, 7)))
    w_src = W_e1[0:H]
    w_dst = W_e1[H:2 * H]
    w_lip16 = jnp.pad(W_e1[2 * H:2 * H + 9], ((0, 7), (0, 0)))
    w_fd8 = jnp.pad(W_e1[2 * H + 9:2 * H + 12], ((0, 5), (0, 0)))
    e2g3 = edge2graph.reshape(E // 1280, 1, 1280)
    b_e1r = b_e1.reshape(1, H)
    b_e2r = b_e2.reshape(1, H)
    b_n1r = b_n1.reshape(1, H)
    b_n2r = b_n2.reshape(1, H)
    w_n1a = W_n1[0:H]
    w_n1b = W_n1[H:2 * H]

    psrc, pdst, lipb = _tc_prologue(node_features, w_src, w_dst, lip16, w_lip16, b_e1r)
    pe, fd = _sc_gather(psrc, pdst, frac_coords, src, dst)
    ef = _tc_edge_mlp(pe, fd, e2g3, lipb, w_fd8, W_e2, b_e2r)
    sums, cnt = _sc_scatter(ef, src)
    return _tc_epilogue(node_features, sums, cnt, w_n1a, w_n1b, b_n1r, W_n2, b_n2r)

# --- scband reference (transcript-rebuilt; emitter-appended) ---
"""Pipeline reference for scband-csplayer-266287972900 (READ-ONLY COPY).

The authoritative reference and input builder live on the scoring server;
editing this copy changes nothing except your own understanding.
"""

import jax, jax.numpy as jnp
import numpy as np

N, E, G, H = 10000, 320000, 256, 128
DIS = 3
IN_E = H * 2 + 9 + DIS
IN_N = H * 2


def setup_inputs(seed: int = 0) -> dict:
    key = jax.random.key(seed)
    ks = jax.random.split(key, 16)
    node_features = jax.random.normal(ks[0], (N, H), dtype=jnp.float32)
    frac_coords = jax.random.uniform(ks[1], (N, 3), dtype=jnp.float32)
    lattices = jax.random.normal(ks[2], (G, 3, 3), dtype=jnp.float32)
    edge_index = jax.random.randint(ks[3], (2, E), 0, N, dtype=jnp.int32)
    edge2graph = jnp.sort(jax.random.randint(ks[4], (E,), 0, G, dtype=jnp.int32))
    s = 0.05
    W_e1 = jax.random.normal(ks[5], (IN_E, H), dtype=jnp.float32) * s
    b_e1 = jnp.zeros((H,), dtype=jnp.float32)
    W_e2 = jax.random.normal(ks[6], (H, H), dtype=jnp.float32) * s
    b_e2 = jnp.zeros((H,), dtype=jnp.float32)
    W_n1 = jax.random.normal(ks[7], (IN_N, H), dtype=jnp.float32) * s
    b_n1 = jnp.zeros((H,), dtype=jnp.float32)
    W_n2 = jax.random.normal(ks[8], (H, H), dtype=jnp.float32) * s
    b_n2 = jnp.zeros((H,), dtype=jnp.float32)
    return {"node_features": node_features, "frac_coords": frac_coords, "lattices": lattices,
            "edge_index": edge_index, "edge2graph": edge2graph,
            "W_e1": W_e1, "b_e1": b_e1, "W_e2": W_e2, "b_e2": b_e2,
            "W_n1": W_n1, "b_n1": b_n1, "W_n2": W_n2, "b_n2": b_n2}


def reference(node_features, frac_coords, lattices, edge_index, edge2graph,
              W_e1, b_e1, W_e2, b_e2, W_n1, b_n1, W_n2, b_n2):
    src = edge_index[0]
    dst = edge_index[1]
    n = node_features.shape[0]
    # edge model
    hi = node_features[src]
    hj = node_features[dst]
    frac_diff = (frac_coords[dst] - frac_coords[src]) % 1.0
    lattice_ips = jnp.matmul(lattices, jnp.swapaxes(lattices, -1, -2))
    lip_flat = lattice_ips.reshape(-1, 9)
    lip_edges = lip_flat[edge2graph]
    edges_input = jnp.concatenate([hi, hj, lip_edges, frac_diff], axis=1)
    h = jax.nn.silu(edges_input @ W_e1 + b_e1)
    edge_features = jax.nn.silu(h @ W_e2 + b_e2)
    # node model: scatter_mean over src
    sums = jnp.zeros((n, edge_features.shape[1]), edge_features.dtype).at[src].add(edge_features)
    cnt = jnp.zeros((n,), edge_features.dtype).at[src].add(1.0)
    agg = sums / jnp.maximum(cnt, 1.0)[:, None]
    node_in = jnp.concatenate([node_features, agg], axis=1)
    h2 = jax.nn.silu(node_in @ W_n1 + b_n1)
    node_output = jax.nn.silu(h2 @ W_n2 + b_n2)
    return node_features + node_output

if __name__ == "__main__":
    import jax
    _d = setup_inputs()
    print(jax.jit(kernel)(*tuple(_d.values())))

</pallas_src>

<mosaic_0001>
#map = affine_map<(d0, d1) -> (0, 0)>
#map1 = affine_map<(d0, d1) -> (0)>
#map2 = affine_map<(d0, d1) -> (0, 0, 0)>
module attributes {stable_mosaic.version = 14 : i64} {
  func.func @sk(%arg0: i32, %arg1: i32, %arg2: memref<320000x128xf32, #tpu.memory_space<hbm>>, %arg3: memref<320000xi32, #tpu.memory_space<hbm>>, %arg4: memref<2x10000x128xf32, #tpu.memory_space<hbm>>, %arg5: memref<20000xf32, #tpu.memory_space<hbm>>, %arg6: memref<80xi32, #tpu.memory_space<vmem>>, %arg7: memref<80x128xf32, #tpu.memory_space<vmem>>, %arg8: memref<80xf32, #tpu.memory_space<vmem>>, %arg9: memref<80x128xf32, #tpu.memory_space<vmem>>, %arg10: memref<400xf32, #tpu.memory_space<vmem>>, %arg11: memref<10000x128xf32, #tpu.memory_space<vmem_shared>>, %arg12: memref<10000xf32, #tpu.memory_space<vmem_shared>>) attributes {dimension_semantics = [#tpu.dimension_semantics<core_parallel>, #tpu.dimension_semantics<subcore_parallel>], iteration_bounds = array<i64: 2, 16>, scalar_prefetch = 0 : i64, scratch_operands = 7 : i64, tpu.core_type = #tpu.core_type<sc_vector_subcore>, window_params = [{transform_indices = #map}, {transform_indices = #map1}, {transform_indices = #map2}, {transform_indices = #map1}]} {
    %broadcast_in_dim3A = arith.constant 0.000000e+00 : f32
    %broadcast_in_dim3A_0 = vector.broadcast %broadcast_in_dim3A : f32 to vector<16xf32>
    %broadcast_in_dim3A_1 = arith.constant 1.000000e+00 : f32
    %broadcast_in_dim3A_2 = vector.broadcast %broadcast_in_dim3A_1 : f32 to vector<16xf32>
    %scan3A = arith.constant 0 : i32
    %scan3A_3 = arith.constant 0 : i32
    %scan3A_4 = arith.constant 80 : i32
    %scan3A_5 = arith.addi %scan3A_3, %scan3A_4 : i32
    %scan3A_6 = arith.constant 1 : i32
    scf.for %scan3A_46 = %scan3A_3 to %scan3A_5 step %scan3A_6  : i32 {
      %swap3A = arith.index_cast %scan3A_46 : i32 to index
      %swap3A_47 = arith.constant 0 : index
      %swap3A_48 = tpu.vector_load %arg9[%swap3A, %swap3A_47] {strides = array<i32>} : memref<80x128xf32, #tpu.memory_space<vmem>>, vector<16xf32>,
      tpu.vector_store %arg9[%swap3A, %swap3A_47], %broadcast_in_dim3A_0 {strides = array<i32>} : memref<80x128xf32, #tpu.memory_space<vmem>>, vector<16xf32>,
      %swap3A_49 = arith.index_cast %scan3A_46 : i32 to index
      %swap3A_50 = arith.constant 16 : index
      %swap3A_51 = tpu.vector_load %arg9[%swap3A_49, %swap3A_50] {strides = array<i32>} : memref<80x128xf32, #tpu.memory_space<vmem>>, vector<16xf32>,
      tpu.vector_store %arg9[%swap3A_49, %swap3A_50], %broadcast_in_dim3A_0 {strides = array<i32>} : memref<80x128xf32, #tpu.memory_space<vmem>>, vector<16xf32>,
      %swap3A_52 = arith.index_cast %scan3A_46 : i32 to index
      %swap3A_53 = arith.constant 32 : index
      %swap3A_54 = tpu.vector_load %arg9[%swap3A_52, %swap3A_53] {strides = array<i32>} : memref<80x128xf32, #tpu.memory_space<vmem>>, vector<16xf32>,
      tpu.vector_store %arg9[%swap3A_52, %swap3A_53], %broadcast_in_dim3A_0 {strides = array<i32>} : memref<80x128xf32, #tpu.memory_space<vmem>>, vector<16xf32>,
      %swap3A_55 = arith.index_cast %scan3A_46 : i32 to index
      %swap3A_56 = arith.constant 48 : index
      %swap3A_57 = tpu.vector_load %arg9[%swap3A_55, %swap3A_56] {strides = array<i32>} : memref<80x128xf32, #tpu.memory_space<vmem>>, vector<16xf32>,
      tpu.vector_store %arg9[%swap3A_55, %swap3A_56], %broadcast_in_dim3A_0 {strides = array<i32>} : memref<80x128xf32, #tpu.memory_space<vmem>>, vector<16xf32>,
      %swap3A_58 = arith.index_cast %scan3A_46 : i32 to index
      %swap3A_59 = arith.constant 64 : index
      %swap3A_60 = tpu.vector_load %arg9[%swap3A_58, %swap3A_59] {strides = array<i32>} : memref<80x128xf32, #tpu.memory_space<vmem>>, vector<16xf32>,
      tpu.vector_store %arg9[%swap3A_58, %swap3A_59], %broadcast_in_dim3A_0 {strides = array<i32>} : memref<80x128xf32, #tpu.memory_space<vmem>>, vector<16xf32>,
      %swap3A_61 = arith.index_cast %scan3A_46 : i32 to index
      %swap3A_62 = arith.constant 80 : index
      %swap3A_63 = tpu.vector_load %arg9[%swap3A_61, %swap3A_62] {strides = array<i32>} : memref<80x128xf32, #tpu.memory_space<vmem>>, vector<16xf32>,
      tpu.vector_store %arg9[%swap3A_61, %swap3A_62], %broadcast_in_dim3A_0 {strides = array<i32>} : memref<80x128xf32, #tpu.memory_space<vmem>>, vector<16xf32>,
      %swap3A_64 = arith.index_cast %scan3A_46 : i32 to index
      %swap3A_65 = arith.constant 96 : index
      %swap3A_66 = tpu.vector_load %arg9[%swap3A_64, %swap3A_65] {strides = array<i32>} : memref<80x128xf32, #tpu.memory_space<vmem>>, vector<16xf32>,
      tpu.vector_store %arg9[%swap3A_64, %swap3A_65], %broadcast_in_dim3A_0 {strides = array<i32>} : memref<80x128xf32, #tpu.memory_space<vmem>>, vector<16xf32>,
      %swap3A_67 = arith.index_cast %scan3A_46 : i32 to index
      %swap3A_68 = arith.constant 112 : index
      %swap3A_69 = tpu.vector_load %arg9[%swap3A_67, %swap3A_68] {strides = array<i32>} : memref<80x128xf32, #tpu.memory_space<vmem>>, vector<16xf32>,
      tpu.vector_store %arg9[%swap3A_67, %swap3A_68], %broadcast_in_dim3A_0 {strides = array<i32>} : memref<80x128xf32, #tpu.memory_space<vmem>>, vector<16xf32>,
    }
    %scan3A_7 = arith.constant 80 : i32
    %scan3A_8 = arith.constant 0 : i32
    %scan3A_9 = arith.constant 0 : i32
    %scan3A_10 = arith.constant 25 : i32
    %scan3A_11 = arith.addi %scan3A_9, %scan3A_10 : i32
    %scan3A_12 = arith.constant 1 : i32
    scf.for %scan3A_46 = %scan3A_9 to %scan3A_11 step %scan3A_12  : i32 {
      %mul3A = arith.constant 16 : i32
      %mul3A_47 = arith.muli %scan3A_46, %mul3A : i32
      %swap3A = arith.index_cast %mul3A_47 : i32 to index
      %swap3A_48 = tpu.vector_load %arg10[%swap3A] {strides = array<i32>} : memref<400xf32, #tpu.memory_space<vmem>>, vector<16xf32>,
      tpu.vector_store %arg10[%swap3A], %broadcast_in_dim3A_0 {strides = array<i32>} : memref<400xf32, #tpu.memory_space<vmem>>, vector<16xf32>,
    }
    %scan3A_13 = arith.constant 25 : i32
    %scan3A_14 = arith.constant 0 : i32
    %scan3A_15 = arith.constant 0 : i32
    %scan3A_16 = arith.constant 5 : i32
    %scan3A_17 = arith.addi %scan3A_15, %scan3A_16 : i32
    %scan3A_18 = arith.constant 1 : i32
    scf.for %scan3A_46 = %scan3A_15 to %scan3A_17 step %scan3A_18  : i32 {
      %mul3A = arith.constant 16 : i32
      %mul3A_47 = arith.muli %scan3A_46, %mul3A : i32
      %swap3A = arith.index_cast %mul3A_47 : i32 to index
      %swap3A_48 = tpu.vector_load %arg8[%swap3A] {strides = array<i32>} : memref<80xf32, #tpu.memory_space<vmem>>, vector<16xf32>,
      tpu.vector_store %arg8[%swap3A], %broadcast_in_dim3A_2 {strides = array<i32>} : memref<80xf32, #tpu.memory_space<vmem>>, vector<16xf32>,
    }
    %scan3A_19 = arith.constant 5 : i32
    %scan3A_20 = arith.constant 0 : i32
    %scan3A_21 = arith.constant 0 : i32
    %scan3A_22 = arith.constant 8 : i32
    %scan3A_23 = arith.addi %scan3A_21, %scan3A_22 : i32
    %scan3A_24 = arith.constant 1 : i32
    scf.for %scan3A_46 = %scan3A_21 to %scan3A_23 step %scan3A_24  : i32 {
      %mul3A = arith.constant 16 : i32
      %mul3A_47 = arith.muli %scan3A_46, %mul3A : i32
      %add3A = arith.addi %arg1, %mul3A_47 : i32
      %lt3A = arith.constant 125 : i32
      %lt3A_48 = arith.cmpi slt, %add3A, %lt3A : i32
      %convert_element_type3A_49 = arith.extui %lt3A_48 : i1 to i32
      %cond3A_50 = arith.constant 0 : i32
      %cond3A_51 = arith.cmpi ne, %convert_element_type3A_49, %cond3A_50 : i32
      scf.if %cond3A_51 {
        %mul3A_52 = arith.constant 80 : i32
        %mul3A_53 = arith.muli %add3A, %mul3A_52 : i32
        "tpu.region"() ({
          %run_scoped3A = tpu.sem_alloc : memref<!tpu.dma_semaphore, #tpu.memory_space<semaphore_mem>>
          %dma_start3A = arith.constant 0 : i32
          %dma_start3A_54 = tpu.memref_slice %arg11[%mul3A_53, %dma_start3A] : memref<10000x128xf32, #tpu.memory_space<vmem_shared>> -> memref<80x128xf32, #tpu.memory_space<vmem_shared>>
          %dma_start3A_55 = arith.constant 0 : i32
          %dma_start3A_56 = tpu.memref_slice %arg11[%mul3A_53, %dma_start3A_55] : memref<10000x128xf32, #tpu.memory_space<vmem_shared>> -> memref<80x128xf32, #tpu.memory_space<vmem_shared>>
          tpu.enqueue_dma source(%arg9 : memref<80x128xf32, #tpu.memory_space<vmem>>) target(%dma_start3A_56 : memref<80x128xf32, #tpu.memory_space<vmem_shared>>) target_semaphore(%run_scoped3A : memref<!tpu.dma_semaphore, #tpu.memory_space<semaphore_mem>>)
          %dma_wait3A = arith.constant 0 : i32
          %dma_wait3A_57 = tpu.memref_slice %arg11[%mul3A_53, %dma_wait3A] : memref<10000x128xf32, #tpu.memory_space<vmem_shared>> -> memref<80x128xf32, #tpu.memory_space<vmem_shared>>
          %dma_wait3A_58 = arith.constant 0 : i32
          %dma_wait3A_59 = tpu.memref_slice %arg11[%mul3A_53, %dma_wait3A_58] : memref<10000x128xf32, #tpu.memory_space<vmem_shared>> -> memref<80x128xf32, #tpu.memory_space<vmem_shared>>
          tpu.wait_dma2 semaphore(%run_scoped3A : memref<!tpu.dma_semaphore, #tpu.memory_space<semaphore_mem>>) src(%arg9 : memref<80x128xf32, #tpu.memory_space<vmem>>) dst(%dma_wait3A_59 : memref<80x128xf32, #tpu.memory_space<vmem_shared>>)
          tpu.yield
        }) : () -> ()
      } else {
      }
    }
    %scan3A_25 = arith.constant 8 : i32
    %eq3A = arith.constant 0 : i32
    %eq3A_26 = arith.cmpi eq, %arg1, %eq3A : i32
    %convert_element_type3A = arith.extui %eq3A_26 : i1 to i32
    %cond3A = arith.constant 0 : i32
    %cond3A_27 = arith.cmpi ne, %convert_element_type3A, %cond3A : i32
    scf.if %cond3A_27 {
      %scan3A_46 = arith.constant 0 : i32
      %scan3A_47 = arith.constant 0 : i32
      %scan3A_48 = arith.constant 25 : i32
      %scan3A_49 = arith.addi %scan3A_47, %scan3A_48 : i32
      %scan3A_50 = arith.constant 1 : i32
      scf.for %scan3A_52 = %scan3A_47 to %scan3A_49 step %scan3A_50  : i32 {
        %mul3A = arith.constant 400 : i32
        %mul3A_53 = arith.muli %scan3A_52, %mul3A : i32
        "tpu.region"() ({
          %run_scoped3A = tpu.sem_alloc : memref<!tpu.dma_semaphore, #tpu.memory_space<semaphore_mem>>
          %dma_start3A = tpu.memref_slice %arg12[%mul3A_53] : memref<10000xf32, #tpu.memory_space<vmem_shared>> -> memref<400xf32, #tpu.memory_space<vmem_shared>>
          %dma_start3A_54 = tpu.memref_slice %arg12[%mul3A_53] : memref<10000xf32, #tpu.memory_space<vmem_shared>> -> memref<400xf32, #tpu.memory_space<vmem_shared>>
          tpu.enqueue_dma source(%arg10 : memref<400xf32, #tpu.memory_space<vmem>>) target(%dma_start3A_54 : memref<400xf32, #tpu.memory_space<vmem_shared>>) target_semaphore(%run_scoped3A : memref<!tpu.dma_semaphore, #tpu.memory_space<semaphore_mem>>)
          %dma_wait3A = tpu.memref_slice %arg12[%mul3A_53] : memref<10000xf32, #tpu.memory_space<vmem_shared>> -> memref<400xf32, #tpu.memory_space<vmem_shared>>
          %dma_wait3A_55 = tpu.memref_slice %arg12[%mul3A_53] : memref<10000xf32, #tpu.memory_space<vmem_shared>> -> memref<400xf32, #tpu.memory_space<vmem_shared>>
          tpu.wait_dma2 semaphore(%run_scoped3A : memref<!tpu.dma_semaphore, #tpu.memory_space<semaphore_mem>>) src(%arg10 : memref<400xf32, #tpu.memory_space<vmem>>) dst(%dma_wait3A_55 : memref<400xf32, #tpu.memory_space<vmem_shared>>)
          tpu.yield
        }) : () -> ()
      }
      %scan3A_51 = arith.constant 25 : i32
    } else {
    }
    %barrier3A = arith.constant 0 : index
    tpu.barrier barrier_id(%barrier3A)
    %scan3A_28 = arith.constant 0 : i32
    %scan3A_29 = arith.constant 0 : i32
    %scan3A_30 = arith.constant 125 : i32
    %scan3A_31 = arith.addi %scan3A_29, %scan3A_30 : i32
    %scan3A_32 = arith.constant 1 : i32
    scf.for %scan3A_46 = %scan3A_29 to %scan3A_31 step %scan3A_32  : i32 {
      %mul3A = arith.constant 16 : i32
      %mul3A_47 = arith.muli %arg0, %mul3A : i32
      %add3A = arith.addi %mul3A_47, %arg1 : i32
      %mul3A_48 = arith.constant 10000 : i32
      %mul3A_49 = arith.muli %add3A, %mul3A_48 : i32
      %mul3A_50 = arith.constant 80 : i32
      %mul3A_51 = arith.muli %scan3A_46, %mul3A_50 : i32
      %add3A_52 = arith.addi %mul3A_49, %mul3A_51 : i32
      "tpu.region"() ({
        %run_scoped3A = tpu.sem_alloc : memref<!tpu.dma_semaphore, #tpu.memory_space<semaphore_mem>>
        %dma_start3A = tpu.memref_slice %arg3[%add3A_52] : memref<320000xi32, #tpu.memory_space<hbm>> -> memref<80xi32, #tpu.memory_space<hbm>>
        %dma_start3A_53 = tpu.memref_slice %arg3[%add3A_52] : memref<320000xi32, #tpu.memory_space<hbm>> -> memref<80xi32, #tpu.memory_space<hbm>>
        tpu.enqueue_dma source(%dma_start3A_53 : memref<80xi32, #tpu.memory_space<hbm>>) target(%arg6 : memref<80xi32, #tpu.memory_space<vmem>>) target_semaphore(%run_scoped3A : memref<!tpu.dma_semaphore, #tpu.memory_space<semaphore_mem>>)
        %dma_wait3A = tpu.memref_slice %arg3[%add3A_52] : memref<320000xi32, #tpu.memory_space<hbm>> -> memref<80xi32, #tpu.memory_space<hbm>>
        %dma_wait3A_54 = tpu.memref_slice %arg3[%add3A_52] : memref<320000xi32, #tpu.memory_space<hbm>> -> memref<80xi32, #tpu.memory_space<hbm>>
        tpu.wait_dma2 semaphore(%run_scoped3A : memref<!tpu.dma_semaphore, #tpu.memory_space<semaphore_mem>>) src(%dma_wait3A_54 : memref<80xi32, #tpu.memory_space<hbm>>) dst(%arg6 : memref<80xi32, #tpu.memory_space<vmem>>)
        tpu.yield
      }) : () -> ()
      "tpu.region"() ({
        %run_scoped3A = tpu.sem_alloc : memref<!tpu.dma_semaphore, #tpu.memory_space<semaphore_mem>>
        %dma_start3A = arith.constant 0 : i32
        %dma_start3A_53 = tpu.memref_slice %arg2[%add3A_52, %dma_start3A] : memref<320000x128xf32, #tpu.memory_space<hbm>> -> memref<80x128xf32, #tpu.memory_space<hbm>>
        %dma_start3A_54 = arith.constant 0 : i32
        %dma_start3A_55 = tpu.memref_slice %arg2[%add3A_52, %dma_start3A_54] : memref<320000x128xf32, #tpu.memory_space<hbm>> -> memref<80x128xf32, #tpu.memory_space<hbm>>
        tpu.enqueue_dma source(%dma_start3A_55 : memref<80x128xf32, #tpu.memory_space<hbm>>) target(%arg7 : memref<80x128xf32, #tpu.memory_space<vmem>>) target_semaphore(%run_scoped3A : memref<!tpu.dma_semaphore, #tpu.memory_space<semaphore_mem>>)
        %dma_wait3A = arith.constant 0 : i32
        %dma_wait3A_56 = tpu.memref_slice %arg2[%add3A_52, %dma_wait3A] : memref<320000x128xf32, #tpu.memory_space<hbm>> -> memref<80x128xf32, #tpu.memory_space<hbm>>
        %dma_wait3A_57 = arith.constant 0 : i32
        %dma_wait3A_58 = tpu.memref_slice %arg2[%add3A_52, %dma_wait3A_57] : memref<320000x128xf32, #tpu.memory_space<hbm>> -> memref<80x128xf32, #tpu.memory_space<hbm>>
        tpu.wait_dma2 semaphore(%run_scoped3A : memref<!tpu.dma_semaphore, #tpu.memory_space<semaphore_mem>>) src(%dma_wait3A_58 : memref<80x128xf32, #tpu.memory_space<hbm>>) dst(%arg7 : memref<80x128xf32, #tpu.memory_space<vmem>>)
        tpu.yield
      }) : () -> ()
      "tpu.region"() ({
        %run_scoped3A = tpu.sem_alloc : memref<!tpu.dma_semaphore, #tpu.memory_space<semaphore_mem>>
        %dma_start3A = arith.constant 0 : i32
        %dma_start3A_53 = arith.constant 0 : i32
        %dma_start3A_54 = tpu.memref_slice %arg11[%dma_start3A, %dma_start3A_53] : memref<10000x128xf32, #tpu.memory_space<vmem_shared>> -> memref<10000x128xf32, #tpu.memory_space<vmem_shared>>
        tpu.enqueue_indirect_dma source(%arg7 : memref<80x128xf32, #tpu.memory_space<vmem>>) target(%dma_start3A_54 : memref<10000x128xf32, #tpu.memory_space<vmem_shared>>) offsets(%arg6 : memref<80xi32, #tpu.memory_space<vmem>>) semaphore(%run_scoped3A : memref<!tpu.dma_semaphore, #tpu.memory_space<semaphore_mem>>) {add = true}
        %dma_wait3A = arith.constant 0 : i32
        %dma_wait3A_55 = arith.constant 0 : i32
        %dma_wait3A_56 = tpu.memref_slice %arg11[%dma_wait3A, %dma_wait3A_55] : memref<10000x128xf32, #tpu.memory_space<vmem_shared>> -> memref<10000x128xf32, #tpu.memory_space<vmem_shared>>
        tpu.wait_indirect_dma semaphore(%run_scoped3A : memref<!tpu.dma_semaphore, #tpu.memory_space<semaphore_mem>>) src(%arg7 : memref<80x128xf32, #tpu.memory_space<vmem>>) dst(%dma_wait3A_56 : memref<10000x128xf32, #tpu.memory_space<vmem_shared>>)
        tpu.yield
      }) : () -> ()
      "tpu.region"() ({
        %run_scoped3A = tpu.sem_alloc : memref<!tpu.dma_semaphore, #tpu.memory_space<semaphore_mem>>
        %dma_start3A = arith.constant 0 : i32
        %dma_start3A_53 = tpu.memref_slice %arg12[%dma_start3A] : memref<10000xf32, #tpu.memory_space<vmem_shared>> -> memref<10000xf32, #tpu.memory_space<vmem_shared>>
        tpu.enqueue_indirect_dma source(%arg8 : memref<80xf32, #tpu.memory_space<vmem>>) target(%dma_start3A_53 : memref<10000xf32, #tpu.memory_space<vmem_shared>>) offsets(%arg6 : memref<80xi32, #tpu.memory_space<vmem>>) semaphore(%run_scoped3A : memref<!tpu.dma_semaphore, #tpu.memory_space<semaphore_mem>>) {add = true}
        %dma_wait3A = arith.constant 0 : i32
        %dma_wait3A_54 = tpu.memref_slice %arg12[%dma_wait3A] : memref<10000xf32, #tpu.memory_space<vmem_shared>> -> memref<10000xf32, #tpu.memory_space<vmem_shared>>
        tpu.wait_indirect_dma semaphore(%run_scoped3A : memref<!tpu.dma_semaphore, #tpu.memory_space<semaphore_mem>>) src(%arg8 : memref<80xf32, #tpu.memory_space<vmem>>) dst(%dma_wait3A_54 : memref<10000xf32, #tpu.memory_space<vmem_shared>>)
        tpu.yield
      }) : () -> ()
    }
    %scan3A_33 = arith.constant 125 : i32
    %barrier3A_34 = arith.constant 0 : index
    tpu.barrier barrier_id(%barrier3A_34)
    %scan3A_35 = arith.constant 0 : i32
    %scan3A_36 = arith.constant 0 : i32
    %scan3A_37 = arith.constant 8 : i32
    %scan3A_38 = arith.addi %scan3A_36, %scan3A_37 : i32
    %scan3A_39 = arith.constant 1 : i32
    scf.for %scan3A_46 = %scan3A_36 to %scan3A_38 step %scan3A_39  : i32 {
      %mul3A = arith.constant 16 : i32
      %mul3A_47 = arith.muli %scan3A_46, %mul3A : i32
      %add3A = arith.addi %arg1, %mul3A_47 : i32
      %lt3A = arith.constant 125 : i32
      %lt3A_48 = arith.cmpi slt, %add3A, %lt3A : i32
      %convert_element_type3A_49 = arith.extui %lt3A_48 : i1 to i32
      %cond3A_50 = arith.constant 0 : i32
      %cond3A_51 = arith.cmpi ne, %convert_element_type3A_49, %cond3A_50 : i32
      scf.if %cond3A_51 {
        %mul3A_52 = arith.constant 80 : i32
        %mul3A_53 = arith.muli %add3A, %mul3A_52 : i32
        "tpu.region"() ({
          %run_scoped3A = tpu.sem_alloc : memref<!tpu.dma_semaphore, #tpu.memory_space<semaphore_mem>>
          %dma_start3A = arith.constant 0 : i32
          %dma_start3A_54 = tpu.memref_slice %arg11[%mul3A_53, %dma_start3A] : memref<10000x128xf32, #tpu.memory_space<vmem_shared>> -> memref<80x128xf32, #tpu.memory_space<vmem_shared>>
          %dma_start3A_55 = arith.constant 0 : i32
          %dma_start3A_56 = tpu.memref_slice %arg11[%mul3A_53, %dma_start3A_55] : memref<10000x128xf32, #tpu.memory_space<vmem_shared>> -> memref<80x128xf32, #tpu.memory_space<vmem_shared>>
          tpu.enqueue_dma source(%dma_start3A_56 : memref<80x128xf32, #tpu.memory_space<vmem_shared>>) target(%arg9 : memref<80x128xf32, #tpu.memory_space<vmem>>) target_semaphore(%run_scoped3A : memref<!tpu.dma_semaphore, #tpu.memory_space<semaphore_mem>>)
          %dma_wait3A = arith.constant 0 : i32
          %dma_wait3A_57 = tpu.memref_slice %arg11[%mul3A_53, %dma_wait3A] : memref<10000x128xf32, #tpu.memory_space<vmem_shared>> -> memref<80x128xf32, #tpu.memory_space<vmem_shared>>
          %dma_wait3A_58 = arith.constant 0 : i32
          %dma_wait3A_59 = tpu.memref_slice %arg11[%mul3A_53, %dma_wait3A_58] : memref<10000x128xf32, #tpu.memory_space<vmem_shared>> -> memref<80x128xf32, #tpu.memory_space<vmem_shared>>
          tpu.wait_dma2 semaphore(%run_scoped3A : memref<!tpu.dma_semaphore, #tpu.memory_space<semaphore_mem>>) src(%dma_wait3A_59 : memref<80x128xf32, #tpu.memory_space<vmem_shared>>) dst(%arg9 : memref<80x128xf32, #tpu.memory_space<vmem>>)
          tpu.yield
        }) : () -> ()
        "tpu.region"() ({
          %run_scoped3A = tpu.sem_alloc : memref<!tpu.dma_semaphore, #tpu.memory_space<semaphore_mem>>
          %dma_start3A = arith.constant 0 : i32
          %dma_start3A_54 = tpu.memref_slice %arg4[%arg0, %mul3A_53, %dma_start3A] : memref<2x10000x128xf32, #tpu.memory_space<hbm>> -> memref<1x80x128xf32, #tpu.memory_space<hbm>>
          %dma_start3A_55 = tpu.memref_squeeze %dma_start3A_54 : memref<1x80x128xf32, #tpu.memory_space<hbm>> -> memref<80x128xf32, #tpu.memory_space<hbm>>
          %dma_start3A_56 = arith.constant 0 : i32
          %dma_start3A_57 = tpu.memref_slice %arg4[%arg0, %mul3A_53, %dma_start3A_56] : memref<2x10000x128xf32, #tpu.memory_space<hbm>> -> memref<1x80x128xf32, #tpu.memory_space<hbm>>
          %dma_start3A_58 = tpu.memref_squeeze %dma_start3A_57 : memref<1x80x128xf32, #tpu.memory_space<hbm>> -> memref<80x128xf32, #tpu.memory_space<hbm>>
          tpu.enqueue_dma source(%arg9 : memref<80x128xf32, #tpu.memory_space<vmem>>) target(%dma_start3A_58 : memref<80x128xf32, #tpu.memory_space<hbm>>) target_semaphore(%run_scoped3A : memref<!tpu.dma_semaphore, #tpu.memory_space<semaphore_mem>>)
          %dma_wait3A = arith.constant 0 : i32
          %dma_wait3A_59 = tpu.memref_slice %arg4[%arg0, %mul3A_53, %dma_wait3A] : memref<2x10000x128xf32, #tpu.memory_space<hbm>> -> memref<1x80x128xf32, #tpu.memory_space<hbm>>
          %dma_wait3A_60 = tpu.memref_squeeze %dma_wait3A_59 : memref<1x80x128xf32, #tpu.memory_space<hbm>> -> memref<80x128xf32, #tpu.memory_space<hbm>>
          %dma_wait3A_61 = arith.constant 0 : i32
          %dma_wait3A_62 = tpu.memref_slice %arg4[%arg0, %mul3A_53, %dma_wait3A_61] : memref<2x10000x128xf32, #tpu.memory_space<hbm>> -> memref<1x80x128xf32, #tpu.memory_space<hbm>>
          %dma_wait3A_63 = tpu.memref_squeeze %dma_wait3A_62 : memref<1x80x128xf32, #tpu.memory_space<hbm>> -> memref<80x128xf32, #tpu.memory_space<hbm>>
          tpu.wait_dma2 semaphore(%run_scoped3A : memref<!tpu.dma_semaphore, #tpu.memory_space<semaphore_mem>>) src(%arg9 : memref<80x128xf32, #tpu.memory_space<vmem>>) dst(%dma_wait3A_63 : memref<80x128xf32, #tpu.memory_space<hbm>>)
          tpu.yield
        }) : () -> ()
      } else {
      }
    }
    %scan3A_40 = arith.constant 8 : i32
    %eq3A_41 = arith.constant 0 : i32
    %eq3A_42 = arith.cmpi eq, %arg1, %eq3A_41 : i32
    %convert_element_type3A_43 = arith.extui %eq3A_42 : i1 to i32
    %cond3A_44 = arith.constant 0 : i32
    %cond3A_45 = arith.cmpi ne, %convert_element_type3A_43, %cond3A_44 : i32
    scf.if %cond3A_45 {
      %scan3A_46 = arith.constant 0 : i32
      %scan3A_47 = arith.constant 0 : i32
      %scan3A_48 = arith.constant 25 : i32
      %scan3A_49 = arith.addi %scan3A_47, %scan3A_48 : i32
      %scan3A_50 = arith.constant 1 : i32
      scf.for %scan3A_52 = %scan3A_47 to %scan3A_49 step %scan3A_50  : i32 {
        %mul3A = arith.constant 400 : i32
        %mul3A_53 = arith.muli %scan3A_52, %mul3A : i32
        "tpu.region"() ({
          %run_scoped3A = tpu.sem_alloc : memref<!tpu.dma_semaphore, #tpu.memory_space<semaphore_mem>>
          %dma_start3A = tpu.memref_slice %arg12[%mul3A_53] : memref<10000xf32, #tpu.memory_space<vmem_shared>> -> memref<400xf32, #tpu.memory_space<vmem_shared>>
          %dma_start3A_58 = tpu.memref_slice %arg12[%mul3A_53] : memref<10000xf32, #tpu.memory_space<vmem_shared>> -> memref<400xf32, #tpu.memory_space<vmem_shared>>
          tpu.enqueue_dma source(%dma_start3A_58 : memref<400xf32, #tpu.memory_space<vmem_shared>>) target(%arg10 : memref<400xf32, #tpu.memory_space<vmem>>) target_semaphore(%run_scoped3A : memref<!tpu.dma_semaphore, #tpu.memory_space<semaphore_mem>>)
          %dma_wait3A = tpu.memref_slice %arg12[%mul3A_53] : memref<10000xf32, #tpu.memory_space<vmem_shared>> -> memref<400xf32, #tpu.memory_space<vmem_shared>>
          %dma_wait3A_59 = tpu.memref_slice %arg12[%mul3A_53] : memref<10000xf32, #tpu.memory_space<vmem_shared>> -> memref<400xf32, #tpu.memory_space<vmem_shared>>
          tpu.wait_dma2 semaphore(%run_scoped3A : memref<!tpu.dma_semaphore, #tpu.memory_space<semaphore_mem>>) src(%dma_wait3A_59 : memref<400xf32, #tpu.memory_space<vmem_shared>>) dst(%arg10 : memref<400xf32, #tpu.memory_space<vmem>>)
          tpu.yield
        }) : () -> ()
        %mul3A_54 = arith.constant 10000 : i32
        %mul3A_55 = arith.muli %arg0, %mul3A_54 : i32
        %mul3A_56 = arith.constant 400 : i32
        %mul3A_57 = arith.muli %scan3A_52, %mul3A_56 : i32
        %add3A = arith.addi %mul3A_55, %mul3A_57 : i32
        "tpu.region"() ({
          %run_scoped3A = tpu.sem_alloc : memref<!tpu.dma_semaphore, #tpu.memory_space<semaphore_mem>>
          %dma_start3A = tpu.memref_slice %arg5[%add3A] : memref<20000xf32, #tpu.memory_space<hbm>> -> memref<400xf32, #tpu.memory_space<hbm>>
          %dma_start3A_58 = tpu.memref_slice %arg5[%add3A] : memref<20000xf32, #tpu.memory_space<hbm>> -> memref<400xf32, #tpu.memory_space<hbm>>
          tpu.enqueue_dma source(%arg10 : memref<400xf32, #tpu.memory_space<vmem>>) target(%dma_start3A_58 : memref<400xf32, #tpu.memory_space<hbm>>) target_semaphore(%run_scoped3A : memref<!tpu.dma_semaphore, #tpu.memory_space<semaphore_mem>>)
          %dma_wait3A = tpu.memref_slice %arg5[%add3A] : memref<20000xf32, #tpu.memory_space<hbm>> -> memref<400xf32, #tpu.memory_space<hbm>>
          %dma_wait3A_59 = tpu.memref_slice %arg5[%add3A] : memref<20000xf32, #tpu.memory_space<hbm>> -> memref<400xf32, #tpu.memory_space<hbm>>
          tpu.wait_dma2 semaphore(%run_scoped3A : memref<!tpu.dma_semaphore, #tpu.memory_space<semaphore_mem>>) src(%arg10 : memref<400xf32, #tpu.memory_space<vmem>>) dst(%dma_wait3A_59 : memref<400xf32, #tpu.memory_space<hbm>>)
          tpu.yield
        }) : () -> ()
      }
      %scan3A_51 = arith.constant 25 : i32
    } else {
    }
    return
  }
}

#map = affine_map<(d0, d1) -> (0, 0)>
#map1 = affine_map<(d0, d1) -> (0)>
module attributes {stable_mosaic.version = 14 : i64} {
  func.func @gk(%arg0: i32, %arg1: i32, %arg2: memref<10000x128xf32, #tpu.memory_space<hbm>>, %arg3: memref<10000x128xf32, #tpu.memory_space<hbm>>, %arg4: memref<30000xf32, #tpu.memory_space<hbm>>, %arg5: memref<320000xi32, #tpu.memory_space<hbm>>, %arg6: memref<320000xi32, #tpu.memory_space<hbm>>, %arg7: memref<320000x128xf32, #tpu.memory_space<hbm>>, %arg8: memref<2560000xf32, #tpu.memory_space<hbm>>, %arg9: memref<80xi32, #tpu.memory_space<vmem>>, %arg10: memref<80xi32, #tpu.memory_space<vmem>>, %arg11: memref<80x128xf32, #tpu.memory_space<vmem>>, %arg12: memref<80x128xf32, #tpu.memory_space<vmem>>, %arg13: memref<30000xf32, #tpu.memory_space<vmem>>, %arg14: memref<640xf32, #tpu.memory_space<vmem>>, %arg15: memref<!tpu.dma_semaphore, #tpu.memory_space<semaphore_mem>>, %arg16: memref<!tpu.dma_semaphore, #tpu.memory_space<semaphore_mem>>) attributes {dimension_semantics = [#tpu.dimension_semantics<core_parallel>, #tpu.dimension_semantics<subcore_parallel>], iteration_bounds = array<i64: 2, 16>, scalar_prefetch = 0 : i64, scratch_operands = 8 : i64, tpu.core_type = #tpu.core_type<sc_vector_subcore>, window_params = [{transform_indices = #map}, {transform_indices = #map}, {transform_indices = #map1}, {transform_indices = #map1}, {transform_indices = #map1}, {transform_indices = #map}, {transform_indices = #map1}]} {
    %mul3A = arith.constant 16 : i32
    %mul3A_0 = arith.muli %arg0, %mul3A : i32
    %add3A = arith.addi %mul3A_0, %arg1 : i32
    %mul3A_1 = arith.constant 10000 : i32
    %mul3A_2 = arith.muli %add3A, %mul3A_1 : i32
    "tpu.region"() ({
      %run_scoped3A = tpu.sem_alloc : memref<!tpu.dma_semaphore, #tpu.memory_space<semaphore_mem>>
      tpu.enqueue_dma source(%arg4 : memref<30000xf32, #tpu.memory_space<hbm>>) target(%arg13 : memref<30000xf32, #tpu.memory_space<vmem>>) target_semaphore(%run_scoped3A : memref<!tpu.dma_semaphore, #tpu.memory_space<semaphore_mem>>)
      tpu.wait_dma2 semaphore(%run_scoped3A : memref<!tpu.dma_semaphore, #tpu.memory_space<semaphore_mem>>) src(%arg4 : memref<30000xf32, #tpu.memory_space<hbm>>) dst(%arg13 : memref<30000xf32, #tpu.memory_space<vmem>>)
      tpu.yield
    }) : () -> ()
    %broadcast_in_dim3A = arith.constant 0.000000e+00 : f32
    %broadcast_in_dim3A_3 = vector.broadcast %broadcast_in_dim3A : f32 to vector<16xf32>
    %iota3A = tpu.iota {dimensions = array<i32: 0>} : vector<16xi32>
    %scan3A = arith.constant 0 : i32
    %scan3A_4 = arith.constant 0 : i32
    %scan3A_5 = arith.constant 40 : i32
    %scan3A_6 = arith.addi %scan3A_4, %scan3A_5 : i32
    %scan3A_7 = arith.constant 1 : i32
    scf.for %scan3A_15 = %scan3A_4 to %scan3A_6 step %scan3A_7  : i32 {
      %mul3A_16 = arith.constant 16 : i32
      %mul3A_17 = arith.muli %scan3A_15, %mul3A_16 : i32
      %swap3A = arith.index_cast %mul3A_17 : i32 to index
      %swap3A_18 = tpu.vector_load %arg14[%swap3A] {strides = array<i32>} : memref<640xf32, #tpu.memory_space<vmem>>, vector<16xf32>,
      tpu.vector_store %arg14[%swap3A], %broadcast_in_dim3A_3 {strides = array<i32>} : memref<640xf32, #tpu.memory_space<vmem>>, vector<16xf32>,
    }
    %scan3A_8 = arith.constant 40 : i32
    %scan3A_9 = arith.constant 0 : i32
    %scan3A_10 = arith.constant 0 : i32
    %scan3A_11 = arith.constant 125 : i32
    %scan3A_12 = arith.addi %scan3A_10, %scan3A_11 : i32
    %scan3A_13 = arith.constant 1 : i32
    scf.for %scan3A_15 = %scan3A_10 to %scan3A_12 step %scan3A_13  : i32 {
      %mul3A_16 = arith.constant 80 : i32
      %mul3A_17 = arith.muli %scan3A_15, %mul3A_16 : i32
      %add3A_18 = arith.addi %mul3A_2, %mul3A_17 : i32
      "tpu.region"() ({
        %run_scoped3A = tpu.sem_alloc : memref<!tpu.dma_semaphore, #tpu.memory_space<semaphore_mem>>
        %dma_start3A_397 = tpu.memref_slice %arg5[%add3A_18] : memref<320000xi32, #tpu.memory_space<hbm>> -> memref<80xi32, #tpu.memory_space<hbm>>
        %dma_start3A_398 = tpu.memref_slice %arg5[%add3A_18] : memref<320000xi32, #tpu.memory_space<hbm>> -> memref<80xi32, #tpu.memory_space<hbm>>
        tpu.enqueue_dma source(%dma_start3A_398 : memref<80xi32, #tpu.memory_space<hbm>>) target(%arg9 : memref<80xi32, #tpu.memory_space<vmem>>) target_semaphore(%run_scoped3A : memref<!tpu.dma_semaphore, #tpu.memory_space<semaphore_mem>>)
        %dma_wait3A_399 = tpu.memref_slice %arg5[%add3A_18] : memref<320000xi32, #tpu.memory_space<hbm>> -> memref<80xi32, #tpu.memory_space<hbm>>
        %dma_wait3A_400 = tpu.memref_slice %arg5[%add3A_18] : memref<320000xi32, #tpu.memory_space<hbm>> -> memref<80xi32, #tpu.memory_space<hbm>>
        tpu.wait_dma2 semaphore(%run_scoped3A : memref<!tpu.dma_semaphore, #tpu.memory_space<semaphore_mem>>) src(%dma_wait3A_400 : memref<80xi32, #tpu.memory_space<hbm>>) dst(%arg9 : memref<80xi32, #tpu.memory_space<vmem>>)
        tpu.yield
      }) : () -> ()
      "tpu.region"() ({
        %run_scoped3A = tpu.sem_alloc : memref<!tpu.dma_semaphore, #tpu.memory_space<semaphore_mem>>
        %dma_start3A_397 = tpu.memref_slice %arg6[%add3A_18] : memref<320000xi32, #tpu.memory_space<hbm>> -> memref<80xi32, #tpu.memory_space<hbm>>
        %dma_start3A_398 = tpu.memref_slice %arg6[%add3A_18] : memref<320000xi32, #tpu.memory_space<hbm>> -> memref<80xi32, #tpu.memory_space<hbm>>
        tpu.enqueue_dma source(%dma_start3A_398 : memref<80xi32, #tpu.memory_space<hbm>>) target(%arg10 : memref<80xi32, #tpu.memory_space<vmem>>) target_semaphore(%run_scoped3A : memref<!tpu.dma_semaphore, #tpu.memory_space<semaphore_mem>>)
        %dma_wait3A_399 = tpu.memref_slice %arg6[%add3A_18] : memref<320000xi32, #tpu.memory_space<hbm>> -> memref<80xi32, #tpu.memory_space<hbm>>
        %dma_wait3A_400 = tpu.memref_slice %arg6[%add3A_18] : memref<320000xi32, #tpu.memory_space<hbm>> -> memref<80xi32, #tpu.memory_space<hbm>>
        tpu.wait_dma2 semaphore(%run_scoped3A : memref<!tpu.dma_semaphore, #tpu.memory_space<semaphore_mem>>) src(%dma_wait3A_400 : memref<80xi32, #tpu.memory_space<hbm>>) dst(%arg10 : memref<80xi32, #tpu.memory_space<vmem>>)
        tpu.yield
      }) : () -> ()
      %dma_start3A = arith.constant 0 : i32
      %dma_start3A_19 = arith.constant 0 : i32
      %dma_start3A_20 = tpu.memref_slice %arg2[%dma_start3A, %dma_start3A_19] : memref<10000x128xf32, #tpu.memory_space<hbm>> -> memref<10000x128xf32, #tpu.memory_space<hbm>>
      tpu.enqueue_indirect_dma source(%dma_start3A_20 : memref<10000x128xf32, #tpu.memory_space<hbm>>) target(%arg11 : memref<80x128xf32, #tpu.memory_space<vmem>>) offsets(%arg9 : memref<80xi32, #tpu.memory_space<vmem>>) semaphore(%arg15 : memref<!tpu.dma_semaphore, #tpu.memory_space<semaphore_mem>>)
      %dma_start3A_21 = arith.constant 0 : i32
      %dma_start3A_22 = arith.constant 0 : i32
      %dma_start3A_23 = tpu.memref_slice %arg3[%dma_start3A_21, %dma_start3A_22] : memref<10000x128xf32, #tpu.memory_space<hbm>> -> memref<10000x128xf32, #tpu.memory_space<hbm>>
      tpu.enqueue_indirect_dma source(%dma_start3A_23 : memref<10000x128xf32, #tpu.memory_space<hbm>>) target(%arg12 : memref<80x128xf32, #tpu.memory_space<vmem>>) offsets(%arg10 : memref<80xi32, #tpu.memory_space<vmem>>) semaphore(%arg16 : memref<!tpu.dma_semaphore, #tpu.memory_space<semaphore_mem>>)
      %dma_wait3A = arith.constant 0 : i32
      %dma_wait3A_24 = arith.constant 0 : i32
      %dma_wait3A_25 = tpu.memref_slice %arg2[%dma_wait3A, %dma_wait3A_24] : memref<10000x128xf32, #tpu.memory_space<hbm>> -> memref<10000x128xf32, #tpu.memory_space<hbm>>
      tpu.wait_indirect_dma semaphore(%arg15 : memref<!tpu.dma_semaphore, #tpu.memory_space<semaphore_mem>>) src(%dma_wait3A_25 : memref<10000x128xf32, #tpu.memory_space<hbm>>) dst(%arg11 : memref<80x128xf32, #tpu.memory_space<vmem>>)
      %dma_wait3A_26 = arith.constant 0 : i32
      %dma_wait3A_27 = arith.constant 0 : i32
      %dma_wait3A_28 = tpu.memref_slice %arg3[%dma_wait3A_26, %dma_wait3A_27] : memref<10000x128xf32, #tpu.memory_space<hbm>> -> memref<10000x128xf32, #tpu.memory_space<hbm>>
      tpu.wait_indirect_dma semaphore(%arg16 : memref<!tpu.dma_semaphore, #tpu.memory_space<semaphore_mem>>) src(%dma_wait3A_28 : memref<10000x128xf32, #tpu.memory_space<hbm>>) dst(%arg12 : memref<80x128xf32, #tpu.memory_space<vmem>>)
      %get3A = arith.constant 0 : index
      %get3A_29 = tpu.vector_load %arg9[%get3A] {strides = array<i32>} : memref<80xi32, #tpu.memory_space<vmem>>, vector<16xi32>,
      %mul3A_30 = arith.constant 3 : i32
      %mul3A_31 = vector.broadcast %mul3A_30 : i32 to vector<16xi32>
      %mul3A_32 = arith.muli %get3A_29, %mul3A_31 : vector<16xi32>
      %get3A_33 = arith.constant 0 : index
      %get3A_34 = tpu.vector_load %arg10[%get3A_33] {strides = array<i32>} : memref<80xi32, #tpu.memory_space<vmem>>, vector<16xi32>,
      %mul3A_35 = arith.constant 3 : i32
      %mul3A_36 = vector.broadcast %mul3A_35 : i32 to vector<16xi32>
      %mul3A_37 = arith.muli %get3A_34, %mul3A_36 : vector<16xi32>
      %add3A_38 = arith.constant 0 : i32
      %add3A_39 = vector.broadcast %add3A_38 : i32 to vector<16xi32>
      %add3A_40 = arith.addi %iota3A, %add3A_39 : vector<16xi32>
      %mul3A_41 = arith.constant 8 : i32
      %mul3A_42 = vector.broadcast %mul3A_41 : i32 to vector<16xi32>
      %mul3A_43 = arith.muli %add3A_40, %mul3A_42 : vector<16xi32>
      %add3A_44 = arith.constant 0 : i32
      %add3A_45 = vector.broadcast %add3A_44 : i32 to vector<16xi32>
      %add3A_46 = arith.addi %mul3A_32, %add3A_45 : vector<16xi32>
      %gather3A = tpu.vector_load_idx %arg13[%add3A_46] : memref<30000xf32, #tpu.memory_space<vmem>>[vector<16xi32>], vector<16xf32>,
      %add3A_47 = arith.constant 0 : i32
      %add3A_48 = vector.broadcast %add3A_47 : i32 to vector<16xi32>
      %add3A_49 = arith.addi %mul3A_37, %add3A_48 : vector<16xi32>
      %gather3A_50 = tpu.vector_load_idx %arg13[%add3A_49] : memref<30000xf32, #tpu.memory_space<vmem>>[vector<16xi32>], vector<16xf32>,
      %sub3A = arith.subf %gather3A_50, %gather3A : vector<16xf32>
      %lt3A = arith.constant 0.000000e+00 : f32
      %lt3A_51 = vector.broadcast %lt3A : f32 to vector<16xf32>
      %lt3A_52 = arith.cmpf olt, %sub3A, %lt3A_51 : vector<16xf32>
      %add3A_53 = arith.constant 1.000000e+00 : f32
      %add3A_54 = vector.broadcast %add3A_53 : f32 to vector<16xf32>
      %add3A_55 = arith.addf %sub3A, %add3A_54 : vector<16xf32>
      %select_n3A = arith.select %lt3A_52, %add3A_55, %sub3A : vector<16xi1>, vector<16xf32>
      %add3A_56 = arith.constant 0 : i32
      %add3A_57 = vector.broadcast %add3A_56 : i32 to vector<16xi32>
      %add3A_58 = arith.addi %mul3A_43, %add3A_57 : vector<16xi32>
      tpu.vector_store_idx %arg14[%add3A_58], %select_n3A : memref<640xf32, #tpu.memory_space<vmem>>[vector<16xi32>], vector<16xf32>,
      %add3A_59 = arith.constant 1 : i32
      %add3A_60 = vector.broadcast %add3A_59 : i32 to vector<16xi32>
      %add3A_61 = arith.addi %mul3A_32, %add3A_60 : vector<16xi32>
      %gather3A_62 = tpu.vector_load_idx %arg13[%add3A_61] : memref<30000xf32, #tpu.memory_space<vmem>>[vector<16xi32>], vector<16xf32>,
      %add3A_63 = arith.constant 1 : i32
      %add3A_64 = vector.broadcast %add3A_63 : i32 to vector<16xi32>
      %add3A_65 = arith.addi %mul3A_37, %add3A_64 : vector<16xi32>
      %gather3A_66 = tpu.vector_load_idx %arg13[%add3A_65] : memref<30000xf32, #tpu.memory_space<vmem>>[vector<16xi32>], vector<16xf32>,
      %sub3A_67 = arith.subf %gather3A_66, %gather3A_62 : vector<16xf32>
      %lt3A_68 = arith.constant 0.000000e+00 : f32
      %lt3A_69 = vector.broadcast %lt3A_68 : f32 to vector<16xf32>
      %lt3A_70 = arith.cmpf olt, %sub3A_67, %lt3A_69 : vector<16xf32>
      %add3A_71 = arith.constant 1.000000e+00 : f32
      %add3A_72 = vector.broadcast %add3A_71 : f32 to vector<16xf32>
      %add3A_73 = arith.addf %sub3A_67, %add3A_72 : vector<16xf32>
      %select_n3A_74 = arith.select %lt3A_70, %add3A_73, %sub3A_67 : vector<16xi1>, vector<16xf32>
      %add3A_75 = arith.constant 1 : i32
      %add3A_76 = vector.broadcast %add3A_75 : i32 to vector<16xi32>
      %add3A_77 = arith.addi %mul3A_43, %add3A_76 : vector<16xi32>
      tpu.vector_store_idx %arg14[%add3A_77], %select_n3A_74 : memref<640xf32, #tpu.memory_space<vmem>>[vector<16xi32>], vector<16xf32>,
      %add3A_78 = arith.constant 2 : i32
      %add3A_79 = vector.broadcast %add3A_78 : i32 to vector<16xi32>
      %add3A_80 = arith.addi %mul3A_32, %add3A_79 : vector<16xi32>
      %gather3A_81 = tpu.vector_load_idx %arg13[%add3A_80] : memref<30000xf32, #tpu.memory_space<vmem>>[vector<16xi32>], vector<16xf32>,
      %add3A_82 = arith.constant 2 : i32
      %add3A_83 = vector.broadcast %add3A_82 : i32 to vector<16xi32>
      %add3A_84 = arith.addi %mul3A_37, %add3A_83 : vector<16xi32>
      %gather3A_85 = tpu.vector_load_idx %arg13[%add3A_84] : memref<30000xf32, #tpu.memory_space<vmem>>[vector<16xi32>], vector<16xf32>,
      %sub3A_86 = arith.subf %gather3A_85, %gather3A_81 : vector<16xf32>
      %lt3A_87 = arith.constant 0.000000e+00 : f32
      %lt3A_88 = vector.broadcast %lt3A_87 : f32 to vector<16xf32>
      %lt3A_89 = arith.cmpf olt, %sub3A_86, %lt3A_88 : vector<16xf32>
      %add3A_90 = arith.constant 1.000000e+00 : f32
      %add3A_91 = vector.broadcast %add3A_90 : f32 to vector<16xf32>
      %add3A_92 = arith.addf %sub3A_86, %add3A_91 : vector<16xf32>
      %select_n3A_93 = arith.select %lt3A_89, %add3A_92, %sub3A_86 : vector<16xi1>, vector<16xf32>
      %add3A_94 = arith.constant 2 : i32
      %add3A_95 = vector.broadcast %add3A_94 : i32 to vector<16xi32>
      %add3A_96 = arith.addi %mul3A_43, %add3A_95 : vector<16xi32>
      tpu.vector_store_idx %arg14[%add3A_96], %select_n3A_93 : memref<640xf32, #tpu.memory_space<vmem>>[vector<16xi32>], vector<16xf32>,
      %get3A_97 = arith.constant 16 : index
      %get3A_98 = tpu.vector_load %arg9[%get3A_97] {strides = array<i32>} : memref<80xi32, #tpu.memory_space<vmem>>, vector<16xi32>,
      %mul3A_99 = arith.constant 3 : i32
      %mul3A_100 = vector.broadcast %mul3A_99 : i32 to vector<16xi32>
      %mul3A_101 = arith.muli %get3A_98, %mul3A_100 : vector<16xi32>
      %get3A_102 = arith.constant 16 : index
      %get3A_103 = tpu.vector_load %arg10[%get3A_102] {strides = array<i32>} : memref<80xi32, #tpu.memory_space<vmem>>, vector<16xi32>,
      %mul3A_104 = arith.constant 3 : i32
      %mul3A_105 = vector.broadcast %mul3A_104 : i32 to vector<16xi32>
      %mul3A_106 = arith.muli %get3A_103, %mul3A_105 : vector<16xi32>
      %add3A_107 = arith.constant 16 : i32
      %add3A_108 = vector.broadcast %add3A_107 : i32 to vector<16xi32>
      %add3A_109 = arith.addi %iota3A, %add3A_108 : vector<16xi32>
      %mul3A_110 = arith.constant 8 : i32
      %mul3A_111 = vector.broadcast %mul3A_110 : i32 to vector<16xi32>
      %mul3A_112 = arith.muli %add3A_109, %mul3A_111 : vector<16xi32>
      %add3A_113 = arith.constant 0 : i32
      %add3A_114 = vector.broadcast %add3A_113 : i32 to vector<16xi32>
      %add3A_115 = arith.addi %mul3A_101, %add3A_114 : vector<16xi32>
      %gather3A_116 = tpu.vector_load_idx %arg13[%add3A_115] : memref<30000xf32, #tpu.memory_space<vmem>>[vector<16xi32>], vector<16xf32>,
      %add3A_117 = arith.constant 0 : i32
      %add3A_118 = vector.broadcast %add3A_117 : i32 to vector<16xi32>
      %add3A_119 = arith.addi %mul3A_106, %add3A_118 : vector<16xi32>
      %gather3A_120 = tpu.vector_load_idx %arg13[%add3A_119] : memref<30000xf32, #tpu.memory_space<vmem>>[vector<16xi32>], vector<16xf32>,
      %sub3A_121 = arith.subf %gather3A_120, %gather3A_116 : vector<16xf32>
      %lt3A_122 = arith.constant 0.000000e+00 : f32
      %lt3A_123 = vector.broadcast %lt3A_122 : f32 to vector<16xf32>
      %lt3A_124 = arith.cmpf olt, %sub3A_121, %lt3A_123 : vector<16xf32>
      %add3A_125 = arith.constant 1.000000e+00 : f32
      %add3A_126 = vector.broadcast %add3A_125 : f32 to vector<16xf32>
      %add3A_127 = arith.addf %sub3A_121, %add3A_126 : vector<16xf32>
      %select_n3A_128 = arith.select %lt3A_124, %add3A_127, %sub3A_121 : vector<16xi1>, vector<16xf32>
      %add3A_129 = arith.constant 0 : i32
      %add3A_130 = vector.broadcast %add3A_129 : i32 to vector<16xi32>
      %add3A_131 = arith.addi %mul3A_112, %add3A_130 : vector<16xi32>
      tpu.vector_store_idx %arg14[%add3A_131], %select_n3A_128 : memref<640xf32, #tpu.memory_space<vmem>>[vector<16xi32>], vector<16xf32>,
      %add3A_132 = arith.constant 1 : i32
      %add3A_133 = vector.broadcast %add3A_132 : i32 to vector<16xi32>
      %add3A_134 = arith.addi %mul3A_101, %add3A_133 : vector<16xi32>
      %gather3A_135 = tpu.vector_load_idx %arg13[%add3A_134] : memref<30000xf32, #tpu.memory_space<vmem>>[vector<16xi32>], vector<16xf32>,
      %add3A_136 = arith.constant 1 : i32
      %add3A_137 = vector.broadcast %add3A_136 : i32 to vector<16xi32>
      %add3A_138 = arith.addi %mul3A_106, %add3A_137 : vector<16xi32>
      %gather3A_139 = tpu.vector_load_idx %arg13[%add3A_138] : memref<30000xf32, #tpu.memory_space<vmem>>[vector<16xi32>], vector<16xf32>,
      %sub3A_140 = arith.subf %gather3A_139, %gather3A_135 : vector<16xf32>
      %lt3A_141 = arith.constant 0.000000e+00 : f32
      %lt3A_142 = vector.broadcast %lt3A_141 : f32 to vector<16xf32>
      %lt3A_143 = arith.cmpf olt, %sub3A_140, %lt3A_142 : vector<16xf32>
      %add3A_144 = arith.constant 1.000000e+00 : f32
      %add3A_145 = vector.broadcast %add3A_144 : f32 to vector<16xf32>
      %add3A_146 = arith.addf %sub3A_140, %add3A_145 : vector<16xf32>
      %select_n3A_147 = arith.select %lt3A_143, %add3A_146, %sub3A_140 : vector<16xi1>, vector<16xf32>
      %add3A_148 = arith.constant 1 : i32
      %add3A_149 = vector.broadcast %add3A_148 : i32 to vector<16xi32>
      %add3A_150 = arith.addi %mul3A_112, %add3A_149 : vector<16xi32>
      tpu.vector_store_idx %arg14[%add3A_150], %select_n3A_147 : memref<640xf32, #tpu.memory_space<vmem>>[vector<16xi32>], vector<16xf32>,
      %add3A_151 = arith.constant 2 : i32
      %add3A_152 = vector.broadcast %add3A_151 : i32 to vector<16xi32>
      %add3A_153 = arith.addi %mul3A_101, %add3A_152 : vector<16xi32>
      %gather3A_154 = tpu.vector_load_idx %arg13[%add3A_153] : memref<30000xf32, #tpu.memory_space<vmem>>[vector<16xi32>], vector<16xf32>,
      %add3A_155 = arith.constant 2 : i32
      %add3A_156 = vector.broadcast %add3A_155 : i32 to vector<16xi32>
      %add3A_157 = arith.addi %mul3A_106, %add3A_156 : vector<16xi32>
      %gather3A_158 = tpu.vector_load_idx %arg13[%add3A_157] : memref<30000xf32, #tpu.memory_space<vmem>>[vector<16xi32>], vector<16xf32>,
      %sub3A_159 = arith.subf %gather3A_158, %gather3A_154 : vector<16xf32>
      %lt3A_160 = arith.constant 0.000000e+00 : f32
      %lt3A_161 = vector.broadcast %lt3A_160 : f32 to vector<16xf32>
      %lt3A_162 = arith.cmpf olt, %sub3A_159, %lt3A_161 : vector<16xf32>
      %add3A_163 = arith.constant 1.000000e+00 : f32
      %add3A_164 = vector.broadcast %add3A_163 : f32 to vector<16xf32>
      %add3A_165 = arith.addf %sub3A_159, %add3A_164 : vector<16xf32>
      %select_n3A_166 = arith.select %lt3A_162, %add3A_165, %sub3A_159 : vector<16xi1>, vector<16xf32>
      %add3A_167 = arith.constant 2 : i32
      %add3A_168 = vector.broadcast %add3A_167 : i32 to vector<16xi32>
      %add3A_169 = arith.addi %mul3A_112, %add3A_168 : vector<16xi32>
      tpu.vector_store_idx %arg14[%add3A_169], %select_n3A_166 : memref<640xf32, #tpu.memory_space<vmem>>[vector<16xi32>], vector<16xf32>,
      %get3A_170 = arith.constant 32 : index
      %get3A_171 = tpu.vector_load %arg9[%get3A_170] {strides = array<i32>} : memref<80xi32, #tpu.memory_space<vmem>>, vector<16xi32>,
      %mul3A_172 = arith.constant 3 : i32
      %mul3A_173 = vector.broadcast %mul3A_172 : i32 to vector<16xi32>
      %mul3A_174 = arith.muli %get3A_171, %mul3A_173 : vector<16xi32>
      %get3A_175 = arith.constant 32 : index
      %get3A_176 = tpu.vector_load %arg10[%get3A_175] {strides = array<i32>} : memref<80xi32, #tpu.memory_space<vmem>>, vector<16xi32>,
      %mul3A_177 = arith.constant 3 : i32
      %mul3A_178 = vector.broadcast %mul3A_177 : i32 to vector<16xi32>
      %mul3A_179 = arith.muli %get3A_176, %mul3A_178 : vector<16xi32>
      %add3A_180 = arith.constant 32 : i32
      %add3A_181 = vector.broadcast %add3A_180 : i32 to vector<16xi32>
      %add3A_182 = arith.addi %iota3A, %add3A_181 : vector<16xi32>
      %mul3A_183 = arith.constant 8 : i32
      %mul3A_184 = vector.broadcast %mul3A_183 : i32 to vector<16xi32>
      %mul3A_185 = arith.muli %add3A_182, %mul3A_184 : vector<16xi32>
      %add3A_186 = arith.constant 0 : i32
      %add3A_187 = vector.broadcast %add3A_186 : i32 to vector<16xi32>
      %add3A_188 = arith.addi %mul3A_174, %add3A_187 : vector<16xi32>
      %gather3A_189 = tpu.vector_load_idx %arg13[%add3A_188] : memref<30000xf32, #tpu.memory_space<vmem>>[vector<16xi32>], vector<16xf32>,
      %add3A_190 = arith.constant 0 : i32
      %add3A_191 = vector.broadcast %add3A_190 : i32 to vector<16xi32>
      %add3A_192 = arith.addi %mul3A_179, %add3A_191 : vector<16xi32>
      %gather3A_193 = tpu.vector_load_idx %arg13[%add3A_192] : memref<30000xf32, #tpu.memory_space<vmem>>[vector<16xi32>], vector<16xf32>,
      %sub3A_194 = arith.subf %gather3A_193, %gather3A_189 : vector<16xf32>
      %lt3A_195 = arith.constant 0.000000e+00 : f32
      %lt3A_196 = vector.broadcast %lt3A_195 : f32 to vector<16xf32>
      %lt3A_197 = arith.cmpf olt, %sub3A_194, %lt3A_196 : vector<16xf32>
      %add3A_198 = arith.constant 1.000000e+00 : f32
      %add3A_199 = vector.broadcast %add3A_198 : f32 to vector<16xf32>
      %add3A_200 = arith.addf %sub3A_194, %add3A_199 : vector<16xf32>
      %select_n3A_201 = arith.select %lt3A_197, %add3A_200, %sub3A_194 : vector<16xi1>, vector<16xf32>
      %add3A_202 = arith.constant 0 : i32
      %add3A_203 = vector.broadcast %add3A_202 : i32 to vector<16xi32>
      %add3A_204 = arith.addi %mul3A_185, %add3A_203 : vector<16xi32>
      tpu.vector_store_idx %arg14[%add3A_204], %select_n3A_201 : memref<640xf32, #tpu.memory_space<vmem>>[vector<16xi32>], vector<16xf32>,
      %add3A_205 = arith.constant 1 : i32
      %add3A_206 = vector.broadcast %add3A_205 : i32 to vector<16xi32>
      %add3A_207 = arith.addi %mul3A_174, %add3A_206 : vector<16xi32>
      %gather3A_208 = tpu.vector_load_idx %arg13[%add3A_207] : memref<30000xf32, #tpu.memory_space<vmem>>[vector<16xi32>], vector<16xf32>,
      %add3A_209 = arith.constant 1 : i32
      %add3A_210 = vector.broadcast %add3A_209 : i32 to vector<16xi32>
      %add3A_211 = arith.addi %mul3A_179, %add3A_210 : vector<16xi32>
      %gather3A_212 = tpu.vector_load_idx %arg13[%add3A_211] : memref<30000xf32, #tpu.memory_space<vmem>>[vector<16xi32>], vector<16xf32>,
      %sub3A_213 = arith.subf %gather3A_212, %gather3A_208 : vector<16xf32>
      %lt3A_214 = arith.constant 0.000000e+00 : f32
      %lt3A_215 = vector.broadcast %lt3A_214 : f32 to vector<16xf32>
      %lt3A_216 = arith.cmpf olt, %sub3A_213, %lt3A_215 : vector<16xf32>
      %add3A_217 = arith.constant 1.000000e+00 : f32
      %add3A_218 = vector.broadcast %add3A_217 : f32 to vector<16xf32>
      %add3A_219 = arith.addf %sub3A_213, %add3A_218 : vector<16xf32>
      %select_n3A_220 = arith.select %lt3A_216, %add3A_219, %sub3A_213 : vector<16xi1>, vector<16xf32>
      %add3A_221 = arith.constant 1 : i32
      %add3A_222 = vector.broadcast %add3A_221 : i32 to vector<16xi32>
      %add3A_223 = arith.addi %mul3A_185, %add3A_222 : vector<16xi32>
      tpu.vector_store_idx %arg14[%add3A_223], %select_n3A_220 : memref<640xf32, #tpu.memory_space<vmem>>[vector<16xi32>], vector<16xf32>,
      %add3A_224 = arith.constant 2 : i32
      %add3A_225 = vector.broadcast %add3A_224 : i32 to vector<16xi32>
      %add3A_226 = arith.addi %mul3A_174, %add3A_225 : vector<16xi32>
      %gather3A_227 = tpu.vector_load_idx %arg13[%add3A_226] : memref<30000xf32, #tpu.memory_space<vmem>>[vector<16xi32>], vector<16xf32>,
      %add3A_228 = arith.constant 2 : i32
      %add3A_229 = vector.broadcast %add3A_228 : i32 to vector<16xi32>
      %add3A_230 = arith.addi %mul3A_179, %add3A_229 : vector<16xi32>
      %gather3A_231 = tpu.vector_load_idx %arg13[%add3A_230] : memref<30000xf32, #tpu.memory_space<vmem>>[vector<16xi32>], vector<16xf32>,
      %sub3A_232 = arith.subf %gather3A_231, %gather3A_227 : vector<16xf32>
      %lt3A_233 = arith.constant 0.000000e+00 : f32
      %lt3A_234 = vector.broadcast %lt3A_233 : f32 to vector<16xf32>
      %lt3A_235 = arith.cmpf olt, %sub3A_232, %lt3A_234 : vector<16xf32>
      %add3A_236 = arith.constant 1.000000e+00 : f32
      %add3A_237 = vector.broadcast %add3A_236 : f32 to vector<16xf32>
      %add3A_238 = arith.addf %sub3A_232, %add3A_237 : vector<16xf32>
      %select_n3A_239 = arith.select %lt3A_235, %add3A_238, %sub3A_232 : vector<16xi1>, vector<16xf32>
      %add3A_240 = arith.constant 2 : i32
      %add3A_241 = vector.broadcast %add3A_240 : i32 to vector<16xi32>
      %add3A_242 = arith.addi %mul3A_185, %add3A_241 : vector<16xi32>
      tpu.vector_store_idx %arg14[%add3A_242], %select_n3A_239 : memref<640xf32, #tpu.memory_space<vmem>>[vector<16xi32>], vector<16xf32>,
      %get3A_243 = arith.constant 48 : index
      %get3A_244 = tpu.vector_load %arg9[%get3A_243] {strides = array<i32>} : memref<80xi32, #tpu.memory_space<vmem>>, vector<16xi32>,
      %mul3A_245 = arith.constant 3 : i32
      %mul3A_246 = vector.broadcast %mul3A_245 : i32 to vector<16xi32>
      %mul3A_247 = arith.muli %get3A_244, %mul3A_246 : vector<16xi32>
      %get3A_248 = arith.constant 48 : index
      %get3A_249 = tpu.vector_load %arg10[%get3A_248] {strides = array<i32>} : memref<80xi32, #tpu.memory_space<vmem>>, vector<16xi32>,
      %mul3A_250 = arith.constant 3 : i32
      %mul3A_251 = vector.broadcast %mul3A_250 : i32 to vector<16xi32>
      %mul3A_252 = arith.muli %get3A_249, %mul3A_251 : vector<16xi32>
      %add3A_253 = arith.constant 48 : i32
      %add3A_254 = vector.broadcast %add3A_253 : i32 to vector<16xi32>
      %add3A_255 = arith.addi %iota3A, %add3A_254 : vector<16xi32>
      %mul3A_256 = arith.constant 8 : i32
      %mul3A_257 = vector.broadcast %mul3A_256 : i32 to vector<16xi32>
      %mul3A_258 = arith.muli %add3A_255, %mul3A_257 : vector<16xi32>
      %add3A_259 = arith.constant 0 : i32
      %add3A_260 = vector.broadcast %add3A_259 : i32 to vector<16xi32>
      %add3A_261 = arith.addi %mul3A_247, %add3A_260 : vector<16xi32>
      %gather3A_262 = tpu.vector_load_idx %arg13[%add3A_261] : memref<30000xf32, #tpu.memory_space<vmem>>[vector<16xi32>], vector<16xf32>,
      %add3A_263 = arith.constant 0 : i32
      %add3A_264 = vector.broadcast %add3A_263 : i32 to vector<16xi32>
      %add3A_265 = arith.addi %mul3A_252, %add3A_264 : vector<16xi32>
      %gather3A_266 = tpu.vector_load_idx %arg13[%add3A_265] : memref<30000xf32, #tpu.memory_space<vmem>>[vector<16xi32>], vector<16xf32>,
      %sub3A_267 = arith.subf %gather3A_266, %gather3A_262 : vector<16xf32>
      %lt3A_268 = arith.constant 0.000000e+00 : f32
      %lt3A_269 = vector.broadcast %lt3A_268 : f32 to vector<16xf32>
      %lt3A_270 = arith.cmpf olt, %sub3A_267, %lt3A_269 : vector<16xf32>
      %add3A_271 = arith.constant 1.000000e+00 : f32
      %add3A_272 = vector.broadcast %add3A_271 : f32 to vector<16xf32>
      %add3A_273 = arith.addf %sub3A_267, %add3A_272 : vector<16xf32>
      %select_n3A_274 = arith.select %lt3A_270, %add3A_273, %sub3A_267 : vector<16xi1>, vector<16xf32>
      %add3A_275 = arith.constant 0 : i32
      %add3A_276 = vector.broadcast %add3A_275 : i32 to vector<16xi32>
      %add3A_277 = arith.addi %mul3A_258, %add3A_276 : vector<16xi32>
      tpu.vector_store_idx %arg14[%add3A_277], %select_n3A_274 : memref<640xf32, #tpu.memory_space<vmem>>[vector<16xi32>], vector<16xf32>,
      %add3A_278 = arith.constant 1 : i32
      %add3A_279 = vector.broadcast %add3A_278 : i32 to vector<16xi32>
      %add3A_280 = arith.addi %mul3A_247, %add3A_279 : vector<16xi32>
      %gather3A_281 = tpu.vector_load_idx %arg13[%add3A_280] : memref<30000xf32, #tpu.memory_space<vmem>>[vector<16xi32>], vector<16xf32>,
      %add3A_282 = arith.constant 1 : i32
      %add3A_283 = vector.broadcast %add3A_282 : i32 to vector<16xi32>
      %add3A_284 = arith.addi %mul3A_252, %add3A_283 : vector<16xi32>
      %gather3A_285 = tpu.vector_load_idx %arg13[%add3A_284] : memref<30000xf32, #tpu.memory_space<vmem>>[vector<16xi32>], vector<16xf32>,
      %sub3A_286 = arith.subf %gather3A_285, %gather3A_281 : vector<16xf32>
      %lt3A_287 = arith.constant 0.000000e+00 : f32
      %lt3A_288 = vector.broadcast %lt3A_287 : f32 to vector<16xf32>
      %lt3A_289 = arith.cmpf olt, %sub3A_286, %lt3A_288 : vector<16xf32>
      %add3A_290 = arith.constant 1.000000e+00 : f32
      %add3A_291 = vector.broadcast %add3A_290 : f32 to vector<16xf32>
      %add3A_292 = arith.addf %sub3A_286, %add3A_291 : vector<16xf32>
      %select_n3A_293 = arith.select %lt3A_289, %add3A_292, %sub3A_286 : vector<16xi1>, vector<16xf32>
      %add3A_294 = arith.constant 1 : i32
      %add3A_295 = vector.broadcast %add3A_294 : i32 to vector<16xi32>
      %add3A_296 = arith.addi %mul3A_258, %add3A_295 : vector<16xi32>
      tpu.vector_store_idx %arg14[%add3A_296], %select_n3A_293 : memref<640xf32, #tpu.memory_space<vmem>>[vector<16xi32>], vector<16xf32>,
      %add3A_297 = arith.constant 2 : i32
      %add3A_298 = vector.broadcast %add3A_297 : i32 to vector<16xi32>
      %add3A_299 = arith.addi %mul3A_247, %add3A_298 : vector<16xi32>
      %gather3A_300 = tpu.vector_load_idx %arg13[%add3A_299] : memref<30000xf32, #tpu.memory_space<vmem>>[vector<16xi32>], vector<16xf32>,
      %add3A_301 = arith.constant 2 : i32
      %add3A_302 = vector.broadcast %add3A_301 : i32 to vector<16xi32>
      %add3A_303 = arith.addi %mul3A_252, %add3A_302 : vector<16xi32>
      %gather3A_304 = tpu.vector_load_idx %arg13[%add3A_303] : memref<30000xf32, #tpu.memory_space<vmem>>[vector<16xi32>], vector<16xf32>,
      %sub3A_305 = arith.subf %gather3A_304, %gather3A_300 : vector<16xf32>
      %lt3A_306 = arith.constant 0.000000e+00 : f32
      %lt3A_307 = vector.broadcast %lt3A_306 : f32 to vector<16xf32>
      %lt3A_308 = arith.cmpf olt, %sub3A_305, %lt3A_307 : vector<16xf32>
      %add3A_309 = arith.constant 1.000000e+00 : f32
      %add3A_310 = vector.broadcast %add3A_309 : f32 to vector<16xf32>
      %add3A_311 = arith.addf %sub3A_305, %add3A_310 : vector<16xf32>
      %select_n3A_312 = arith.select %lt3A_308, %add3A_311, %sub3A_305 : vector<16xi1>, vector<16xf32>
      %add3A_313 = arith.constant 2 : i32
      %add3A_314 = vector.broadcast %add3A_313 : i32 to vector<16xi32>
      %add3A_315 = arith.addi %mul3A_258, %add3A_314 : vector<16xi32>
      tpu.vector_store_idx %arg14[%add3A_315], %select_n3A_312 : memref<640xf32, #tpu.memory_space<vmem>>[vector<16xi32>], vector<16xf32>,
      %get3A_316 = arith.constant 64 : index
      %get3A_317 = tpu.vector_load %arg9[%get3A_316] {strides = array<i32>} : memref<80xi32, #tpu.memory_space<vmem>>, vector<16xi32>,
      %mul3A_318 = arith.constant 3 : i32
      %mul3A_319 = vector.broadcast %mul3A_318 : i32 to vector<16xi32>
      %mul3A_320 = arith.muli %get3A_317, %mul3A_319 : vector<16xi32>
      %get3A_321 = arith.constant 64 : index
      %get3A_322 = tpu.vector_load %arg10[%get3A_321] {strides = array<i32>} : memref<80xi32, #tpu.memory_space<vmem>>, vector<16xi32>,
      %mul3A_323 = arith.constant 3 : i32
      %mul3A_324 = vector.broadcast %mul3A_323 : i32 to vector<16xi32>
      %mul3A_325 = arith.muli %get3A_322, %mul3A_324 : vector<16xi32>
      %add3A_326 = arith.constant 64 : i32
      %add3A_327 = vector.broadcast %add3A_326 : i32 to vector<16xi32>
      %add3A_328 = arith.addi %iota3A, %add3A_327 : vector<16xi32>
      %mul3A_329 = arith.constant 8 : i32
      %mul3A_330 = vector.broadcast %mul3A_329 : i32 to vector<16xi32>
      %mul3A_331 = arith.muli %add3A_328, %mul3A_330 : vector<16xi32>
      %add3A_332 = arith.constant 0 : i32
      %add3A_333 = vector.broadcast %add3A_332 : i32 to vector<16xi32>
      %add3A_334 = arith.addi %mul3A_320, %add3A_333 : vector<16xi32>
      %gather3A_335 = tpu.vector_load_idx %arg13[%add3A_334] : memref<30000xf32, #tpu.memory_space<vmem>>[vector<16xi32>], vector<16xf32>,
      %add3A_336 = arith.constant 0 : i32
      %add3A_337 = vector.broadcast %add3A_336 : i32 to vector<16xi32>
      %add3A_338 = arith.addi %mul3A_325, %add3A_337 : vector<16xi32>
      %gather3A_339 = tpu.vector_load_idx %arg13[%add3A_338] : memref<30000xf32, #tpu.memory_space<vmem>>[vector<16xi32>], vector<16xf32>,
      %sub3A_340 = arith.subf %gather3A_339, %gather3A_335 : vector<16xf32>
      %lt3A_341 = arith.constant 0.000000e+00 : f32
      %lt3A_342 = vector.broadcast %lt3A_341 : f32 to vector<16xf32>
      %lt3A_343 = arith.cmpf olt, %sub3A_340, %lt3A_342 : vector<16xf32>
      %add3A_344 = arith.constant 1.000000e+00 : f32
      %add3A_345 = vector.broadcast %add3A_344 : f32 to vector<16xf32>
      %add3A_346 = arith.addf %sub3A_340, %add3A_345 : vector<16xf32>
      %select_n3A_347 = arith.select %lt3A_343, %add3A_346, %sub3A_340 : vector<16xi1>, vector<16xf32>
      %add3A_348 = arith.constant 0 : i32
      %add3A_349 = vector.broadcast %add3A_348 : i32 to vector<16xi32>
      %add3A_350 = arith.addi %mul3A_331, %add3A_349 : vector<16xi32>
      tpu.vector_store_idx %arg14[%add3A_350], %select_n3A_347 : memref<640xf32, #tpu.memory_space<vmem>>[vector<16xi32>], vector<16xf32>,
      %add3A_351 = arith.constant 1 : i32
      %add3A_352 = vector.broadcast %add3A_351 : i32 to vector<16xi32>
      %add3A_353 = arith.addi %mul3A_320, %add3A_352 : vector<16xi32>
      %gather3A_354 = tpu.vector_load_idx %arg13[%add3A_353] : memref<30000xf32, #tpu.memory_space<vmem>>[vector<16xi32>], vector<16xf32>,
      %add3A_355 = arith.constant 1 : i32
      %add3A_356 = vector.broadcast %add3A_355 : i32 to vector<16xi32>
      %add3A_357 = arith.addi %mul3A_325, %add3A_356 : vector<16xi32>
      %gather3A_358 = tpu.vector_load_idx %arg13[%add3A_357] : memref<30000xf32, #tpu.memory_space<vmem>>[vector<16xi32>], vector<16xf32>,
      %sub3A_359 = arith.subf %gather3A_358, %gather3A_354 : vector<16xf32>
      %lt3A_360 = arith.constant 0.000000e+00 : f32
      %lt3A_361 = vector.broadcast %lt3A_360 : f32 to vector<16xf32>
      %lt3A_362 = arith.cmpf olt, %sub3A_359, %lt3A_361 : vector<16xf32>
      %add3A_363 = arith.constant 1.000000e+00 : f32
      %add3A_364 = vector.broadcast %add3A_363 : f32 to vector<16xf32>
      %add3A_365 = arith.addf %sub3A_359, %add3A_364 : vector<16xf32>
      %select_n3A_366 = arith.select %lt3A_362, %add3A_365, %sub3A_359 : vector<16xi1>, vector<16xf32>
      %add3A_367 = arith.constant 1 : i32
      %add3A_368 = vector.broadcast %add3A_367 : i32 to vector<16xi32>
      %add3A_369 = arith.addi %mul3A_331, %add3A_368 : vector<16xi32>
      tpu.vector_store_idx %arg14[%add3A_369], %select_n3A_366 : memref<640xf32, #tpu.memory_space<vmem>>[vector<16xi32>], vector<16xf32>,
      %add3A_370 = arith.constant 2 : i32
      %add3A_371 = vector.broadcast %add3A_370 : i32 to vector<16xi32>
      %add3A_372 = arith.addi %mul3A_320, %add3A_371 : vector<16xi32>
      %gather3A_373 = tpu.vector_load_idx %arg13[%add3A_372] : memref<30000xf32, #tpu.memory_space<vmem>>[vector<16xi32>], vector<16xf32>,
      %add3A_374 = arith.constant 2 : i32
      %add3A_375 = vector.broadcast %add3A_374 : i32 to vector<16xi32>
      %add3A_376 = arith.addi %mul3A_325, %add3A_375 : vector<16xi32>
      %gather3A_377 = tpu.vector_load_idx %arg13[%add3A_376] : memref<30000xf32, #tpu.memory_space<vmem>>[vector<16xi32>], vector<16xf32>,
      %sub3A_378 = arith.subf %gather3A_377, %gather3A_373 : vector<16xf32>
      %lt3A_379 = arith.constant 0.000000e+00 : f32
      %lt3A_380 = vector.broadcast %lt3A_379 : f32 to vector<16xf32>
      %lt3A_381 = arith.cmpf olt, %sub3A_378, %lt3A_380 : vector<16xf32>
      %add3A_382 = arith.constant 1.000000e+00 : f32
      %add3A_383 = vector.broadcast %add3A_382 : f32 to vector<16xf32>
      %add3A_384 = arith.addf %sub3A_378, %add3A_383 : vector<16xf32>
      %select_n3A_385 = arith.select %lt3A_381, %add3A_384, %sub3A_378 : vector<16xi1>, vector<16xf32>
      %add3A_386 = arith.constant 2 : i32
      %add3A_387 = vector.broadcast %add3A_386 : i32 to vector<16xi32>
      %add3A_388 = arith.addi %mul3A_331, %add3A_387 : vector<16xi32>
      tpu.vector_store_idx %arg14[%add3A_388], %select_n3A_385 : memref<640xf32, #tpu.memory_space<vmem>>[vector<16xi32>], vector<16xf32>,
      %scan3A_389 = arith.constant 0 : i32
      %scan3A_390 = arith.constant 0 : i32
      %scan3A_391 = arith.constant 80 : i32
      %scan3A_392 = arith.addi %scan3A_390, %scan3A_391 : i32
      %scan3A_393 = arith.constant 1 : i32
      scf.for %scan3A_397 = %scan3A_390 to %scan3A_392 step %scan3A_393  : i32 {
        %get3A_398 = arith.index_cast %scan3A_397 : i32 to index
        %get3A_399 = arith.constant 0 : index
        %get3A_400 = tpu.vector_load %arg11[%get3A_398, %get3A_399] {strides = array<i32>} : memref<80x128xf32, #tpu.memory_space<vmem>>, vector<16xf32>,
        %get3A_401 = arith.index_cast %scan3A_397 : i32 to index
        %get3A_402 = arith.constant 0 : index
        %get3A_403 = tpu.vector_load %arg12[%get3A_401, %get3A_402] {strides = array<i32>} : memref<80x128xf32, #tpu.memory_space<vmem>>, vector<16xf32>,
        %add3A_404 = arith.addf %get3A_400, %get3A_403 : vector<16xf32>
        %swap3A = arith.index_cast %scan3A_397 : i32 to index
        %swap3A_405 = arith.constant 0 : index
        %swap3A_406 = tpu.vector_load %arg11[%swap3A, %swap3A_405] {strides = array<i32>} : memref<80x128xf32, #tpu.memory_space<vmem>>, vector<16xf32>,
        tpu.vector_store %arg11[%swap3A, %swap3A_405], %add3A_404 {strides = array<i32>} : memref<80x128xf32, #tpu.memory_space<vmem>>, vector<16xf32>,
        %get3A_407 = arith.index_cast %scan3A_397 : i32 to index
        %get3A_408 = arith.constant 16 : index
        %get3A_409 = tpu.vector_load %arg11[%get3A_407, %get3A_408] {strides = array<i32>} : memref<80x128xf32, #tpu.memory_space<vmem>>, vector<16xf32>,
        %get3A_410 = arith.index_cast %scan3A_397 : i32 to index
        %get3A_411 = arith.constant 16 : index
        %get3A_412 = tpu.vector_load %arg12[%get3A_410, %get3A_411] {strides = array<i32>} : memref<80x128xf32, #tpu.memory_space<vmem>>, vector<16xf32>,
        %add3A_413 = arith.addf %get3A_409, %get3A_412 : vector<16xf32>
        %swap3A_414 = arith.index_cast %scan3A_397 : i32 to index
        %swap3A_415 = arith.constant 16 : index
        %swap3A_416 = tpu.vector_load %arg11[%swap3A_414, %swap3A_415] {strides = array<i32>} : memref<80x128xf32, #tpu.memory_space<vmem>>, vector<16xf32>,
        tpu.vector_store %arg11[%swap3A_414, %swap3A_415], %add3A_413 {strides = array<i32>} : memref<80x128xf32, #tpu.memory_space<vmem>>, vector<16xf32>,
        %get3A_417 = arith.index_cast %scan3A_397 : i32 to index
        %get3A_418 = arith.constant 32 : index
        %get3A_419 = tpu.vector_load %arg11[%get3A_417, %get3A_418] {strides = array<i32>} : memref<80x128xf32, #tpu.memory_space<vmem>>, vector<16xf32>,
        %get3A_420 = arith.index_cast %scan3A_397 : i32 to index
        %get3A_421 = arith.constant 32 : index
        %get3A_422 = tpu.vector_load %arg12[%get3A_420, %get3A_421] {strides = array<i32>} : memref<80x128xf32, #tpu.memory_space<vmem>>, vector<16xf32>,
        %add3A_423 = arith.addf %get3A_419, %get3A_422 : vector<16xf32>
        %swap3A_424 = arith.index_cast %scan3A_397 : i32 to index
        %swap3A_425 = arith.constant 32 : index
        %swap3A_426 = tpu.vector_load %arg11[%swap3A_424, %swap3A_425] {strides = array<i32>} : memref<80x128xf32, #tpu.memory_space<vmem>>, vector<16xf32>,
        tpu.vector_store %arg11[%swap3A_424, %swap3A_425], %add3A_423 {strides = array<i32>} : memref<80x128xf32, #tpu.memory_space<vmem>>, vector<16xf32>,
        %get3A_427 = arith.index_cast %scan3A_397 : i32 to index
        %get3A_428 = arith.constant 48 : index
        %get3A_429 = tpu.vector_load %arg11[%get3A_427, %get3A_428] {strides = array<i32>} : memref<80x128xf32, #tpu.memory_space<vmem>>, vector<16xf32>,
        %get3A_430 = arith.index_cast %scan3A_397 : i32 to index
        %get3A_431 = arith.constant 48 : index
        %get3A_432 = tpu.vector_load %arg12[%get3A_430, %get3A_431] {strides = array<i32>} : memref<80x128xf32, #tpu.memory_space<vmem>>, vector<16xf32>,
        %add3A_433 = arith.addf %get3A_429, %get3A_432 : vector<16xf32>
        %swap3A_434 = arith.index_cast %scan3A_397 : i32 to index
        %swap3A_435 = arith.constant 48 : index
        %swap3A_436 = tpu.vector_load %arg11[%swap3A_434, %swap3A_435] {strides = array<i32>} : memref<80x128xf32, #tpu.memory_space<vmem>>, vector<16xf32>,
        tpu.vector_store %arg11[%swap3A_434, %swap3A_435], %add3A_433 {strides = array<i32>} : memref<80x128xf32, #tpu.memory_space<vmem>>, vector<16xf32>,
        %get3A_437 = arith.index_cast %scan3A_397 : i32 to index
        %get3A_438 = arith.constant 64 : index
        %get3A_439 = tpu.vector_load %arg11[%get3A_437, %get3A_438] {strides = array<i32>} : memref<80x128xf32, #tpu.memory_space<vmem>>, vector<16xf32>,
        %get3A_440 = arith.index_cast %scan3A_397 : i32 to index
        %get3A_441 = arith.constant 64 : index
        %get3A_442 = tpu.vector_load %arg12[%get3A_440, %get3A_441] {strides = array<i32>} : memref<80x128xf32, #tpu.memory_space<vmem>>, vector<16xf32>,
        %add3A_443 = arith.addf %get3A_439, %get3A_442 : vector<16xf32>
        %swap3A_444 = arith.index_cast %scan3A_397 : i32 to index
        %swap3A_445 = arith.constant 64 : index
        %swap3A_446 = tpu.vector_load %arg11[%swap3A_444, %swap3A_445] {strides = array<i32>} : memref<80x128xf32, #tpu.memory_space<vmem>>, vector<16xf32>,
        tpu.vector_store %arg11[%swap3A_444, %swap3A_445], %add3A_443 {strides = array<i32>} : memref<80x128xf32, #tpu.memory_space<vmem>>, vector<16xf32>,
        %get3A_447 = arith.index_cast %scan3A_397 : i32 to index
        %get3A_448 = arith.constant 80 : index
        %get3A_449 = tpu.vector_load %arg11[%get3A_447, %get3A_448] {strides = array<i32>} : memref<80x128xf32, #tpu.memory_space<vmem>>, vector<16xf32>,
        %get3A_450 = arith.index_cast %scan3A_397 : i32 to index
        %get3A_451 = arith.constant 80 : index
        %get3A_452 = tpu.vector_load %arg12[%get3A_450, %get3A_451] {strides = array<i32>} : memref<80x128xf32, #tpu.memory_space<vmem>>, vector<16xf32>,
        %add3A_453 = arith.addf %get3A_449, %get3A_452 : vector<16xf32>
        %swap3A_454 = arith.index_cast %scan3A_397 : i32 to index
        %swap3A_455 = arith.constant 80 : index
        %swap3A_456 = tpu.vector_load %arg11[%swap3A_454, %swap3A_455] {strides = array<i32>} : memref<80x128xf32, #tpu.memory_space<vmem>>, vector<16xf32>,
        tpu.vector_store %arg11[%swap3A_454, %swap3A_455], %add3A_453 {strides = array<i32>} : memref<80x128xf32, #tpu.memory_space<vmem>>, vector<16xf32>,
        %get3A_457 = arith.index_cast %scan3A_397 : i32 to index
        %get3A_458 = arith.constant 96 : index
        %get3A_459 = tpu.vector_load %arg11[%get3A_457, %get3A_458] {strides = array<i32>} : memref<80x128xf32, #tpu.memory_space<vmem>>, vector<16xf32>,
        %get3A_460 = arith.index_cast %scan3A_397 : i32 to index
        %get3A_461 = arith.constant 96 : index
        %get3A_462 = tpu.vector_load %arg12[%get3A_460, %get3A_461] {strides = array<i32>} : memref<80x128xf32, #tpu.memory_space<vmem>>, vector<16xf32>,
        %add3A_463 = arith.addf %get3A_459, %get3A_462 : vector<16xf32>
        %swap3A_464 = arith.index_cast %scan3A_397 : i32 to index
        %swap3A_465 = arith.constant 96 : index
        %swap3A_466 = tpu.vector_load %arg11[%swap3A_464, %swap3A_465] {strides = array<i32>} : memref<80x128xf32, #tpu.memory_space<vmem>>, vector<16xf32>,
        tpu.vector_store %arg11[%swap3A_464, %swap3A_465], %add3A_463 {strides = array<i32>} : memref<80x128xf32, #tpu.memory_space<vmem>>, vector<16xf32>,
        %get3A_467 = arith.index_cast %scan3A_397 : i32 to index
        %get3A_468 = arith.constant 112 : index
        %get3A_469 = tpu.vector_load %arg11[%get3A_467, %get3A_468] {strides = array<i32>} : memref<80x128xf32, #tpu.memory_space<vmem>>, vector<16xf32>,
        %get3A_470 = arith.index_cast %scan3A_397 : i32 to index
        %get3A_471 = arith.constant 112 : index
        %get3A_472 = tpu.vector_load %arg12[%get3A_470, %get3A_471] {strides = array<i32>} : memref<80x128xf32, #tpu.memory_space<vmem>>, vector<16xf32>,
        %add3A_473 = arith.addf %get3A_469, %get3A_472 : vector<16xf32>
        %swap3A_474 = arith.index_cast %scan3A_397 : i32 to index
        %swap3A_475 = arith.constant 112 : index
        %swap3A_476 = tpu.vector_load %arg11[%swap3A_474, %swap3A_475] {strides = array<i32>} : memref<80x128xf32, #tpu.memory_space<vmem>>, vector<16xf32>,
        tpu.vector_store %arg11[%swap3A_474, %swap3A_475], %add3A_473 {strides = array<i32>} : memref<80x128xf32, #tpu.memory_space<vmem>>, vector<16xf32>,
      }
      %scan3A_394 = arith.constant 80 : i32
      "tpu.region"() ({
        %run_scoped3A = tpu.sem_alloc : memref<!tpu.dma_semaphore, #tpu.memory_space<semaphore_mem>>
        %dma_start3A_397 = arith.constant 0 : i32
        %dma_start3A_398 = tpu.memref_slice %arg7[%add3A_18, %dma_start3A_397] : memref<320000x128xf32, #tpu.memory_space<hbm>> -> memref<80x128xf32, #tpu.memory_space<hbm>>
        %dma_start3A_399 = arith.constant 0 : i32
        %dma_start3A_400 = tpu.memref_slice %arg7[%add3A_18, %dma_start3A_399] : memref<320000x128xf32, #tpu.memory_space<hbm>> -> memref<80x128xf32, #tpu.memory_space<hbm>>
        tpu.enqueue_dma source(%arg11 : memref<80x128xf32, #tpu.memory_space<vmem>>) target(%dma_start3A_400 : memref<80x128xf32, #tpu.memory_space<hbm>>) target_semaphore(%run_scoped3A : memref<!tpu.dma_semaphore, #tpu.memory_space<semaphore_mem>>)
        %dma_wait3A_401 = arith.constant 0 : i32
        %dma_wait3A_402 = tpu.memref_slice %arg7[%add3A_18, %dma_wait3A_401] : memref<320000x128xf32, #tpu.memory_space<hbm>> -> memref<80x128xf32, #tpu.memory_space<hbm>>
        %dma_wait3A_403 = arith.constant 0 : i32
        %dma_wait3A_404 = tpu.memref_slice %arg7[%add3A_18, %dma_wait3A_403] : memref<320000x128xf32, #tpu.memory_space<hbm>> -> memref<80x128xf32, #tpu.memory_space<hbm>>
        tpu.wait_dma2 semaphore(%run_scoped3A : memref<!tpu.dma_semaphore, #tpu.memory_space<semaphore_mem>>) src(%arg11 : memref<80x128xf32, #tpu.memory_space<vmem>>) dst(%dma_wait3A_404 : memref<80x128xf32, #tpu.memory_space<hbm>>)
        tpu.yield
      }) : () -> ()
      %mul3A_395 = arith.constant 8 : i32
      %mul3A_396 = arith.muli %add3A_18, %mul3A_395 : i32
      "tpu.region"() ({
        %run_scoped3A = tpu.sem_alloc : memref<!tpu.dma_semaphore, #tpu.memory_space<semaphore_mem>>
        %dma_start3A_397 = tpu.memref_slice %arg8[%mul3A_396] : memref<2560000xf32, #tpu.memory_space<hbm>> -> memref<640xf32, #tpu.memory_space<hbm>>
        %dma_start3A_398 = tpu.memref_slice %arg8[%mul3A_396] : memref<2560000xf32, #tpu.memory_space<hbm>> -> memref<640xf32, #tpu.memory_space<hbm>>
        tpu.enqueue_dma source(%arg14 : memref<640xf32, #tpu.memory_space<vmem>>) target(%dma_start3A_398 : memref<640xf32, #tpu.memory_space<hbm>>) target_semaphore(%run_scoped3A : memref<!tpu.dma_semaphore, #tpu.memory_space<semaphore_mem>>)
        %dma_wait3A_399 = tpu.memref_slice %arg8[%mul3A_396] : memref<2560000xf32, #tpu.memory_space<hbm>> -> memref<640xf32, #tpu.memory_space<hbm>>
        %dma_wait3A_400 = tpu.memref_slice %arg8[%mul3A_396] : memref<2560000xf32, #tpu.memory_space<hbm>> -> memref<640xf32, #tpu.memory_space<hbm>>
        tpu.wait_dma2 semaphore(%run_scoped3A : memref<!tpu.dma_semaphore, #tpu.memory_space<semaphore_mem>>) src(%arg14 : memref<640xf32, #tpu.memory_space<vmem>>) dst(%dma_wait3A_400 : memref<640xf32, #tpu.memory_space<hbm>>)
        tpu.yield
      }) : () -> ()
    }
    %scan3A_14 = arith.constant 125 : i32
    return
  }
}

module attributes {stable_mosaic.version = 14 : i64} {
  func.func @body(%arg0: memref<10000x128xf32, #tpu.memory_space<vmem>>, %arg1: memref<128x128xf32, #tpu.memory_space<vmem>>, %arg2: memref<128x128xf32, #tpu.memory_space<vmem>>, %arg3: memref<256x16xf32, #tpu.memory_space<vmem>>, %arg4: memref<16x128xf32, #tpu.memory_space<vmem>>, %arg5: memref<1x128xf32, #tpu.memory_space<vmem>>, %arg6: memref<10000x128xf32, #tpu.memory_space<vmem>>, %arg7: memref<10000x128xf32, #tpu.memory_space<vmem>>, %arg8: memref<256x128xf32, #tpu.memory_space<vmem>>) attributes {dimension_semantics = [], scalar_prefetch = 0 : i64, scratch_operands = 0 : i64, tpu.core_type = #tpu.core_type<tc>} {
    %get3A = arith.constant 0 : index
    %get3A_0 = arith.constant 0 : index
    %get3A_1 = vector.load %arg0[%get3A, %get3A_0] : memref<10000x128xf32, #tpu.memory_space<vmem>>, vector<10000x128xf32>
    %get3A_2 = arith.constant 0 : index
    %get3A_3 = arith.constant 0 : index
    %get3A_4 = vector.load %arg1[%get3A_2, %get3A_3] : memref<128x128xf32, #tpu.memory_space<vmem>>, vector<128x128xf32>
    %dot_general3A = arith.constant dense<0.000000e+00> : vector<10000x128xf32>
    %dot_general3A_5 = tpu.matmul %get3A_1, %get3A_4, %dot_general3A {dimension_numbers = #tpu.dot_dimension_numbers<[1], [0], [0], [1], [0, 0, 1, 1], [], []>, transpose_lhs_hint = false} : vector<10000x128xf32>, vector<128x128xf32>, vector<10000x128xf32> -> vector<10000x128xf32>
    %swap3A = arith.constant 0 : index
    %swap3A_6 = arith.constant 0 : index
    %swap3A_7 = vector.load %arg6[%swap3A, %swap3A_6] : memref<10000x128xf32, #tpu.memory_space<vmem>>, vector<10000x128xf32>
    tpu.vector_store %arg6[%swap3A, %swap3A_6], %dot_general3A_5 {strides = array<i32>} : memref<10000x128xf32, #tpu.memory_space<vmem>>, vector<10000x128xf32>,
    %get3A_8 = arith.constant 0 : index
    %get3A_9 = arith.constant 0 : index
    %get3A_10 = vector.load %arg2[%get3A_8, %get3A_9] : memref<128x128xf32, #tpu.memory_space<vmem>>, vector<128x128xf32>
    %dot_general3A_11 = arith.constant dense<0.000000e+00> : vector<10000x128xf32>
    %dot_general3A_12 = tpu.matmul %get3A_1, %get3A_10, %dot_general3A_11 {dimension_numbers = #tpu.dot_dimension_numbers<[1], [0], [0], [1], [0, 0, 1, 1], [], []>, transpose_lhs_hint = false} : vector<10000x128xf32>, vector<128x128xf32>, vector<10000x128xf32> -> vector<10000x128xf32>
    %swap3A_13 = arith.constant 0 : index
    %swap3A_14 = arith.constant 0 : index
    %swap3A_15 = vector.load %arg7[%swap3A_13, %swap3A_14] : memref<10000x128xf32, #tpu.memory_space<vmem>>, vector<10000x128xf32>
    tpu.vector_store %arg7[%swap3A_13, %swap3A_14], %dot_general3A_12 {strides = array<i32>} : memref<10000x128xf32, #tpu.memory_space<vmem>>, vector<10000x128xf32>,
    %get3A_16 = arith.constant 0 : index
    %get3A_17 = arith.constant 0 : index
    %get3A_18 = vector.load %arg3[%get3A_16, %get3A_17] : memref<256x16xf32, #tpu.memory_space<vmem>>, vector<256x16xf32>
    %get3A_19 = arith.constant 0 : index
    %get3A_20 = arith.constant 0 : index
    %get3A_21 = vector.load %arg4[%get3A_19, %get3A_20] : memref<16x128xf32, #tpu.memory_space<vmem>>, vector<16x128xf32>
    %dot_general3A_22 = arith.constant dense<0.000000e+00> : vector<256x128xf32>
    %dot_general3A_23 = tpu.matmul %get3A_18, %get3A_21, %dot_general3A_22 {dimension_numbers = #tpu.dot_dimension_numbers<[1], [0], [0], [1], [0, 0, 1, 1], [], []>, transpose_lhs_hint = false} : vector<256x16xf32>, vector<16x128xf32>, vector<256x128xf32> -> vector<256x128xf32>
    %get3A_24 = arith.constant 0 : index
    %get3A_25 = arith.constant 0 : index
    %get3A_26 = vector.load %arg5[%get3A_24, %get3A_25] : memref<1x128xf32, #tpu.memory_space<vmem>>, vector<1x128xf32>
    %add3A = vector.broadcast %get3A_26 : vector<1x128xf32> to vector<256x128xf32>
    %add3A_27 = arith.addf %dot_general3A_23, %add3A : vector<256x128xf32>
    %swap3A_28 = arith.constant 0 : index
    %swap3A_29 = arith.constant 0 : index
    %swap3A_30 = vector.load %arg8[%swap3A_28, %swap3A_29] : memref<256x128xf32, #tpu.memory_space<vmem>>, vector<256x128xf32>
    tpu.vector_store %arg8[%swap3A_28, %swap3A_29], %add3A_27 {strides = array<i32>} : memref<256x128xf32, #tpu.memory_space<vmem>>, vector<256x128xf32>,
    return
  }
}

module attributes {stable_mosaic.version = 14 : i64} {
  func.func @body(%arg0: i32, %arg1: memref<1280x128xf32, #tpu.memory_space<vmem>>, %arg2: memref<1280x8xf32, #tpu.memory_space<vmem>>, %arg3: memref<1x1x1280xi32, #tpu.memory_space<vmem>>, %arg4: memref<256x128xf32, #tpu.memory_space<vmem>>, %arg5: memref<8x128xf32, #tpu.memory_space<vmem>>, %arg6: memref<128x128xf32, #tpu.memory_space<vmem>>, %arg7: memref<1x128xf32, #tpu.memory_space<vmem>>, %arg8: memref<1280x128xf32, #tpu.memory_space<vmem>>) attributes {dimension_semantics = [#tpu.dimension_semantics<arbitrary>], iteration_bounds = array<i64: 250>, scalar_prefetch = 0 : i64, scratch_operands = 0 : i64, tpu.core_type = #tpu.core_type<tc>, window_params = [{transform_indices = @transform_0, window_bounds = array<i64: 1280, 128>}, {transform_indices = @transform_1, window_bounds = array<i64: 1280, 8>}, {transform_indices = @transform_2, window_bounds = array<i64: 1, 1, 1280>}, {pipeline_mode = #tpu.pipeline_mode<synchronous>, transform_indices = @transform_3, window_bounds = array<i64: 256, 128>}, {pipeline_mode = #tpu.pipeline_mode<synchronous>, transform_indices = @transform_4, window_bounds = array<i64: 8, 128>}, {pipeline_mode = #tpu.pipeline_mode<synchronous>, transform_indices = @transform_5, window_bounds = array<i64: 128, 128>}, {pipeline_mode = #tpu.pipeline_mode<synchronous>, transform_indices = @transform_6, window_bounds = array<i64: 1, 128>}, {transform_indices = @transform_7, window_bounds = array<i64: 1280, 128>}]} {
    %get3A = arith.constant 0 : index
    %get3A_0 = arith.constant 0 : index
    %get3A_1 = arith.constant 0 : index
    %get3A_2 = vector.load %arg3[%get3A, %get3A_0, %get3A_1] : memref<1x1x1280xi32, #tpu.memory_space<vmem>>, vector<1x1x1280xi32>
    %get3A_3 = vector.shape_cast %get3A_2 : vector<1x1x1280xi32> to vector<1280xi32>
    %reshape3A = vector.shape_cast %get3A_3 : vector<1280xi32> to vector<1280x1xi32>
    %iota3A = tpu.iota {dimensions = array<i32: 1>} : vector<1280x256xi32>
    %eq3A = vector.broadcast %reshape3A : vector<1280x1xi32> to vector<1280x256xi32>
    %eq3A_4 = arith.cmpi eq, %eq3A, %iota3A : vector<1280x256xi32>
    %jit3A = arith.constant 1.000000e+00 : f32
    %jit3A_5 = arith.constant 0.000000e+00 : f32
    %broadcast_in_dim3A = vector.broadcast %jit3A : f32 to vector<1280x256xf32>
    %broadcast_in_dim3A_6 = vector.broadcast %jit3A_5 : f32 to vector<1280x256xf32>
    %select_n3A = arith.select %eq3A_4, %broadcast_in_dim3A, %broadcast_in_dim3A_6 : vector<1280x256xi1>, vector<1280x256xf32>
    %convert_element_type3A = arith.truncf %select_n3A : vector<1280x256xf32> to vector<1280x256xbf16>
    %get3A_7 = arith.constant 0 : index
    %get3A_8 = arith.constant 0 : index
    %get3A_9 = vector.load %arg1[%get3A_7, %get3A_8] : memref<1280x128xf32, #tpu.memory_space<vmem>>, vector<1280x128xf32>
    %get3A_10 = arith.constant 0 : index
    %get3A_11 = arith.constant 0 : index
    %get3A_12 = vector.load %arg4[%get3A_10, %get3A_11] : memref<256x128xf32, #tpu.memory_space<vmem>>, vector<256x128xf32>
    %convert_element_type3A_13 = arith.truncf %get3A_12 : vector<256x128xf32> to vector<256x128xbf16>
    %dot_general3A = arith.constant dense<0.000000e+00> : vector<1280x128xf32>
    %dot_general3A_14 = tpu.matmul %convert_element_type3A, %convert_element_type3A_13, %dot_general3A {dimension_numbers = #tpu.dot_dimension_numbers<[1], [0], [0], [1], [0, 0, 1, 1], [], []>, transpose_lhs_hint = false} : vector<1280x256xbf16>, vector<256x128xbf16>, vector<1280x128xf32> -> vector<1280x128xf32>
    %add3A = arith.addf %get3A_9, %dot_general3A_14 : vector<1280x128xf32>
    %get3A_15 = arith.constant 0 : index
    %get3A_16 = arith.constant 0 : index
    %get3A_17 = vector.load %arg2[%get3A_15, %get3A_16] : memref<1280x8xf32, #tpu.memory_space<vmem>>, vector<1280x8xf32>
    %get3A_18 = arith.constant 0 : index
    %get3A_19 = arith.constant 0 : index
    %get3A_20 = vector.load %arg5[%get3A_18, %get3A_19] : memref<8x128xf32, #tpu.memory_space<vmem>>, vector<8x128xf32>
    %dot_general3A_21 = arith.constant dense<0.000000e+00> : vector<1280x128xf32>
    %dot_general3A_22 = tpu.matmul %get3A_17, %get3A_20, %dot_general3A_21 {dimension_numbers = #tpu.dot_dimension_numbers<[1], [0], [0], [1], [0, 0, 1, 1], [], []>, transpose_lhs_hint = false} : vector<1280x8xf32>, vector<8x128xf32>, vector<1280x128xf32> -> vector<1280x128xf32>
    %add3A_23 = arith.addf %add3A, %dot_general3A_22 : vector<1280x128xf32>
    %neg3A = arith.constant 0.000000e+00 : f32
    %neg3A_24 = vector.broadcast %neg3A : f32 to vector<1280x128xf32>
    %neg3A_25 = arith.subf %neg3A_24, %add3A_23 : vector<1280x128xf32>
    %exp3A = math.exp %neg3A_25 : vector<1280x128xf32>
    %add3A_26 = arith.constant 1.000000e+00 : f32
    %add3A_27 = vector.broadcast %add3A_26 : f32 to vector<1280x128xf32>
    %add3A_28 = arith.addf %add3A_27, %exp3A : vector<1280x128xf32>
    %div3A = arith.constant 1.000000e+00 : f32
    %div3A_29 = vector.broadcast %div3A : f32 to vector<1280x128xf32>
    %div3A_30 = arith.divf %div3A_29, %add3A_28 : vector<1280x128xf32>
    %mul3A = arith.mulf %add3A_23, %div3A_30 : vector<1280x128xf32>
    %convert_element_type3A_31 = arith.truncf %mul3A : vector<1280x128xf32> to vector<1280x128xbf16>
    %get3A_32 = arith.constant 0 : index
    %get3A_33 = arith.constant 0 : index
    %get3A_34 = vector.load %arg6[%get3A_32, %get3A_33] : memref<128x128xf32, #tpu.memory_space<vmem>>, vector<128x128xf32>
    %convert_element_type3A_35 = arith.truncf %get3A_34 : vector<128x128xf32> to vector<128x128xbf16>
    %dot_general3A_36 = arith.constant dense<0.000000e+00> : vector<1280x128xf32>
    %dot_general3A_37 = tpu.matmul %convert_element_type3A_31, %convert_element_type3A_35, %dot_general3A_36 {dimension_numbers = #tpu.dot_dimension_numbers<[1], [0], [0], [1], [0, 0, 1, 1], [], []>, transpose_lhs_hint = false} : vector<1280x128xbf16>, vector<128x128xbf16>, vector<1280x128xf32> -> vector<1280x128xf32>
    %get3A_38 = arith.constant 0 : index
    %get3A_39 = arith.constant 0 : index
    %get3A_40 = vector.load %arg7[%get3A_38, %get3A_39] : memref<1x128xf32, #tpu.memory_space<vmem>>, vector<1x128xf32>
    %add3A_41 = vector.broadcast %get3A_40 : vector<1x128xf32> to vector<1280x128xf32>
    %add3A_42 = arith.addf %dot_general3A_37, %add3A_41 : vector<1280x128xf32>
    %neg3A_43 = arith.constant 0.000000e+00 : f32
    %neg3A_44 = vector.broadcast %neg3A_43 : f32 to vector<1280x128xf32>
    %neg3A_45 = arith.subf %neg3A_44, %add3A_42 : vector<1280x128xf32>
    %exp3A_46 = math.exp %neg3A_45 : vector<1280x128xf32>
    %add3A_47 = arith.constant 1.000000e+00 : f32
    %add3A_48 = vector.broadcast %add3A_47 : f32 to vector<1280x128xf32>
    %add3A_49 = arith.addf %add3A_48, %exp3A_46 : vector<1280x128xf32>
    %div3A_50 = arith.constant 1.000000e+00 : f32
    %div3A_51 = vector.broadcast %div3A_50 : f32 to vector<1280x128xf32>
    %div3A_52 = arith.divf %div3A_51, %add3A_49 : vector<1280x128xf32>
    %mul3A_53 = arith.mulf %add3A_42, %div3A_52 : vector<1280x128xf32>
    %swap3A = arith.constant 0 : index
    %swap3A_54 = arith.constant 0 : index
    %swap3A_55 = vector.load %arg8[%swap3A, %swap3A_54] : memref<1280x128xf32, #tpu.memory_space<vmem>>, vector<1280x128xf32>
    tpu.vector_store %arg8[%swap3A, %swap3A_54], %mul3A_53 {strides = array<i32>} : memref<1280x128xf32, #tpu.memory_space<vmem>>, vector<1280x128xf32>,
    return
  }
  func.func @transform_0(%arg0: i32) -> (i32, i32) {
    %c0_i32 = arith.constant 0 : i32
    %c0_i32_0 = arith.constant 0 : i32
    return %arg0, %c0_i32 : i32, i32
  }
  func.func @transform_1(%arg0: i32) -> (i32, i32) {
    %c0_i32 = arith.constant 0 : i32
    %c0_i32_0 = arith.constant 0 : i32
    return %arg0, %c0_i32 : i32, i32
  }
  func.func @transform_2(%arg0: i32) -> (i32, i32, i32) {
    %c0_i32 = arith.constant 0 : i32
    %c0_i32_0 = arith.constant 0 : i32
    %c0_i32_1 = arith.constant 0 : i32
    return %arg0, %c0_i32, %c0_i32_0 : i32, i32, i32
  }
  func.func @transform_3(%arg0: i32) -> (i32, i32) {
    %c0_i32 = arith.constant 0 : i32
    %c0_i32_0 = arith.constant 0 : i32
    %c0_i32_1 = arith.constant 0 : i32
    return %c0_i32, %c0_i32_0 : i32, i32
  }
  func.func @transform_4(%arg0: i32) -> (i32, i32) {
    %c0_i32 = arith.constant 0 : i32
    %c0_i32_0 = arith.constant 0 : i32
    %c0_i32_1 = arith.constant 0 : i32
    return %c0_i32, %c0_i32_0 : i32, i32
  }
  func.func @transform_5(%arg0: i32) -> (i32, i32) {
    %c0_i32 = arith.constant 0 : i32
    %c0_i32_0 = arith.constant 0 : i32
    %c0_i32_1 = arith.constant 0 : i32
    return %c0_i32, %c0_i32_0 : i32, i32
  }
  func.func @transform_6(%arg0: i32) -> (i32, i32) {
    %c0_i32 = arith.constant 0 : i32
    %c0_i32_0 = arith.constant 0 : i32
    %c0_i32_1 = arith.constant 0 : i32
    return %c0_i32, %c0_i32_0 : i32, i32
  }
  func.func @transform_7(%arg0: i32) -> (i32, i32) {
    %c0_i32 = arith.constant 0 : i32
    %c0_i32_0 = arith.constant 0 : i32
    return %arg0, %c0_i32 : i32, i32
  }
}

module attributes {stable_mosaic.version = 14 : i64} {
  func.func @body(%arg0: i32, %arg1: memref<1000x128xf32, #tpu.memory_space<vmem>>, %arg2: memref<2x1000x128xf32, #tpu.memory_space<vmem>>, %arg3: memref<2x1000x1xf32, #tpu.memory_space<vmem>>, %arg4: memref<128x128xf32, #tpu.memory_space<vmem>>, %arg5: memref<128x128xf32, #tpu.memory_space<vmem>>, %arg6: memref<1x128xf32, #tpu.memory_space<vmem>>, %arg7: memref<128x128xf32, #tpu.memory_space<vmem>>, %arg8: memref<1x128xf32, #tpu.memory_space<vmem>>, %arg9: memref<1000x128xf32, #tpu.memory_space<vmem>>) attributes {dimension_semantics = [#tpu.dimension_semantics<arbitrary>], iteration_bounds = array<i64: 10>, scalar_prefetch = 0 : i64, scratch_operands = 0 : i64, tpu.core_type = #tpu.core_type<tc>, window_params = [{transform_indices = @transform_0, window_bounds = array<i64: 1000, 128>}, {transform_indices = @transform_1, window_bounds = array<i64: 2, 1000, 128>}, {transform_indices = @transform_2, window_bounds = array<i64: 2, 1000, 1>}, {pipeline_mode = #tpu.pipeline_mode<synchronous>, transform_indices = @transform_3, window_bounds = array<i64: 128, 128>}, {pipeline_mode = #tpu.pipeline_mode<synchronous>, transform_indices = @transform_4, window_bounds = array<i64: 128, 128>}, {pipeline_mode = #tpu.pipeline_mode<synchronous>, transform_indices = @transform_5, window_bounds = array<i64: 1, 128>}, {pipeline_mode = #tpu.pipeline_mode<synchronous>, transform_indices = @transform_6, window_bounds = array<i64: 128, 128>}, {pipeline_mode = #tpu.pipeline_mode<synchronous>, transform_indices = @transform_7, window_bounds = array<i64: 1, 128>}, {transform_indices = @transform_8, window_bounds = array<i64: 1000, 128>}]} {
    %get3A = arith.constant 0 : index
    %get3A_0 = arith.constant 0 : index
    %get3A_1 = arith.constant 0 : index
    %get3A_2 = vector.load %arg2[%get3A, %get3A_0, %get3A_1] : memref<2x1000x128xf32, #tpu.memory_space<vmem>>, vector<1x1000x128xf32>
    %get3A_3 = vector.shape_cast %get3A_2 : vector<1x1000x128xf32> to vector<1000x128xf32>
    %get3A_4 = arith.constant 1 : index
    %get3A_5 = arith.constant 0 : index
    %get3A_6 = arith.constant 0 : index
    %get3A_7 = vector.load %arg2[%get3A_4, %get3A_5, %get3A_6] : memref<2x1000x128xf32, #tpu.memory_space<vmem>>, vector<1x1000x128xf32>
    %get3A_8 = vector.shape_cast %get3A_7 : vector<1x1000x128xf32> to vector<1000x128xf32>
    %add3A = arith.addf %get3A_3, %get3A_8 : vector<1000x128xf32>
    %get3A_9 = arith.constant 0 : index
    %get3A_10 = arith.constant 0 : index
    %get3A_11 = arith.constant 0 : index
    %get3A_12 = vector.load %arg3[%get3A_9, %get3A_10, %get3A_11] : memref<2x1000x1xf32, #tpu.memory_space<vmem>>, vector<1x1000x1xf32>
    %get3A_13 = vector.shape_cast %get3A_12 : vector<1x1000x1xf32> to vector<1000xf32>
    %get3A_14 = arith.constant 1 : index
    %get3A_15 = arith.constant 0 : index
    %get3A_16 = arith.constant 0 : index
    %get3A_17 = vector.load %arg3[%get3A_14, %get3A_15, %get3A_16] : memref<2x1000x1xf32, #tpu.memory_space<vmem>>, vector<1x1000x1xf32>
    %get3A_18 = vector.shape_cast %get3A_17 : vector<1x1000x1xf32> to vector<1000xf32>
    %add3A_19 = arith.addf %get3A_13, %get3A_18 : vector<1000xf32>
    %max3A = arith.constant 1.000000e+00 : f32
    %max3A_20 = vector.broadcast %max3A : f32 to vector<1000xf32>
    %max3A_21 = arith.maximumf %add3A_19, %max3A_20 : vector<1000xf32>
    %reshape3A = vector.shape_cast %max3A_21 : vector<1000xf32> to vector<1000x1xf32>
    %div3A = vector.broadcast %reshape3A : vector<1000x1xf32> to vector<1000x128xf32>
    %div3A_22 = arith.divf %add3A, %div3A : vector<1000x128xf32>
    %get3A_23 = arith.constant 0 : index
    %get3A_24 = arith.constant 0 : index
    %get3A_25 = vector.load %arg1[%get3A_23, %get3A_24] : memref<1000x128xf32, #tpu.memory_space<vmem>>, vector<1000x128xf32>
    %get3A_26 = arith.constant 0 : index
    %get3A_27 = arith.constant 0 : index
    %get3A_28 = vector.load %arg4[%get3A_26, %get3A_27] : memref<128x128xf32, #tpu.memory_space<vmem>>, vector<128x128xf32>
    %dot_general3A = arith.constant dense<0.000000e+00> : vector<1000x128xf32>
    %dot_general3A_29 = tpu.matmul %get3A_25, %get3A_28, %dot_general3A {dimension_numbers = #tpu.dot_dimension_numbers<[1], [0], [0], [1], [0, 0, 1, 1], [], []>, transpose_lhs_hint = false} : vector<1000x128xf32>, vector<128x128xf32>, vector<1000x128xf32> -> vector<1000x128xf32>
    %get3A_30 = arith.constant 0 : index
    %get3A_31 = arith.constant 0 : index
    %get3A_32 = vector.load %arg5[%get3A_30, %get3A_31] : memref<128x128xf32, #tpu.memory_space<vmem>>, vector<128x128xf32>
    %dot_general3A_33 = arith.constant dense<0.000000e+00> : vector<1000x128xf32>
    %dot_general3A_34 = tpu.matmul %div3A_22, %get3A_32, %dot_general3A_33 {dimension_numbers = #tpu.dot_dimension_numbers<[1], [0], [0], [1], [0, 0, 1, 1], [], []>, transpose_lhs_hint = false} : vector<1000x128xf32>, vector<128x128xf32>, vector<1000x128xf32> -> vector<1000x128xf32>
    %add3A_35 = arith.addf %dot_general3A_29, %dot_general3A_34 : vector<1000x128xf32>
    %get3A_36 = arith.constant 0 : index
    %get3A_37 = arith.constant 0 : index
    %get3A_38 = vector.load %arg6[%get3A_36, %get3A_37] : memref<1x128xf32, #tpu.memory_space<vmem>>, vector<1x128xf32>
    %add3A_39 = vector.broadcast %get3A_38 : vector<1x128xf32> to vector<1000x128xf32>
    %add3A_40 = arith.addf %add3A_35, %add3A_39 : vector<1000x128xf32>
    %neg3A = arith.constant 0.000000e+00 : f32
    %neg3A_41 = vector.broadcast %neg3A : f32 to vector<1000x128xf32>
    %neg3A_42 = arith.subf %neg3A_41, %add3A_40 : vector<1000x128xf32>
    %exp3A = math.exp %neg3A_42 : vector<1000x128xf32>
    %add3A_43 = arith.constant 1.000000e+00 : f32
    %add3A_44 = vector.broadcast %add3A_43 : f32 to vector<1000x128xf32>
    %add3A_45 = arith.addf %add3A_44, %exp3A : vector<1000x128xf32>
    %div3A_46 = arith.constant 1.000000e+00 : f32
    %div3A_47 = vector.broadcast %div3A_46 : f32 to vector<1000x128xf32>
    %div3A_48 = arith.divf %div3A_47, %add3A_45 : vector<1000x128xf32>
    %mul3A = arith.mulf %add3A_40, %div3A_48 : vector<1000x128xf32>
    %get3A_49 = arith.constant 0 : index
    %get3A_50 = arith.constant 0 : index
    %get3A_51 = vector.load %arg7[%get3A_49, %get3A_50] : memref<128x128xf32, #tpu.memory_space<vmem>>, vector<128x128xf32>
    %dot_general3A_52 = arith.constant dense<0.000000e+00> : vector<1000x128xf32>
    %dot_general3A_53 = tpu.matmul %mul3A, %get3A_51, %dot_general3A_52 {dimension_numbers = #tpu.dot_dimension_numbers<[1], [0], [0], [1], [0, 0, 1, 1], [], []>, transpose_lhs_hint = false} : vector<1000x128xf32>, vector<128x128xf32>, vector<1000x128xf32> -> vector<1000x128xf32>
    %get3A_54 = arith.constant 0 : index
    %get3A_55 = arith.constant 0 : index
    %get3A_56 = vector.load %arg8[%get3A_54, %get3A_55] : memref<1x128xf32, #tpu.memory_space<vmem>>, vector<1x128xf32>
    %add3A_57 = vector.broadcast %get3A_56 : vector<1x128xf32> to vector<1000x128xf32>
    %add3A_58 = arith.addf %dot_general3A_53, %add3A_57 : vector<1000x128xf32>
    %neg3A_59 = arith.constant 0.000000e+00 : f32
    %neg3A_60 = vector.broadcast %neg3A_59 : f32 to vector<1000x128xf32>
    %neg3A_61 = arith.subf %neg3A_60, %add3A_58 : vector<1000x128xf32>
    %exp3A_62 = math.exp %neg3A_61 : vector<1000x128xf32>
    %add3A_63 = arith.constant 1.000000e+00 : f32
    %add3A_64 = vector.broadcast %add3A_63 : f32 to vector<1000x128xf32>
    %add3A_65 = arith.addf %add3A_64, %exp3A_62 : vector<1000x128xf32>
    %div3A_66 = arith.constant 1.000000e+00 : f32
    %div3A_67 = vector.broadcast %div3A_66 : f32 to vector<1000x128xf32>
    %div3A_68 = arith.divf %div3A_67, %add3A_65 : vector<1000x128xf32>
    %mul3A_69 = arith.mulf %add3A_58, %div3A_68 : vector<1000x128xf32>
    %add3A_70 = arith.addf %get3A_25, %mul3A_69 : vector<1000x128xf32>
    %swap3A = arith.constant 0 : index
    %swap3A_71 = arith.constant 0 : index
    %swap3A_72 = vector.load %arg9[%swap3A, %swap3A_71] : memref<1000x128xf32, #tpu.memory_space<vmem>>, vector<1000x128xf32>
    tpu.vector_store %arg9[%swap3A, %swap3A_71], %add3A_70 {strides = array<i32>} : memref<1000x128xf32, #tpu.memory_space<vmem>>, vector<1000x128xf32>,
    return
  }
  func.func @transform_0(%arg0: i32) -> (i32, i32) {
    %c0_i32 = arith.constant 0 : i32
    %c0_i32_0 = arith.constant 0 : i32
    return %arg0, %c0_i32 : i32, i32
  }
  func.func @transform_1(%arg0: i32) -> (i32, i32, i32) {
    %c0_i32 = arith.constant 0 : i32
    %c0_i32_0 = arith.constant 0 : i32
    %c0_i32_1 = arith.constant 0 : i32
    return %c0_i32, %arg0, %c0_i32_0 : i32, i32, i32
  }
  func.func @transform_2(%arg0: i32) -> (i32, i32, i32) {
    %c0_i32 = arith.constant 0 : i32
    %c0_i32_0 = arith.constant 0 : i32
    %c0_i32_1 = arith.constant 0 : i32
    return %c0_i32, %arg0, %c0_i32_0 : i32, i32, i32
  }
  func.func @transform_3(%arg0: i32) -> (i32, i32) {
    %c0_i32 = arith.constant 0 : i32
    %c0_i32_0 = arith.constant 0 : i32
    %c0_i32_1 = arith.constant 0 : i32
    return %c0_i32, %c0_i32_0 : i32, i32
  }
  func.func @transform_4(%arg0: i32) -> (i32, i32) {
    %c0_i32 = arith.constant 0 : i32
    %c0_i32_0 = arith.constant 0 : i32
    %c0_i32_1 = arith.constant 0 : i32
    return %c0_i32, %c0_i32_0 : i32, i32
  }
  func.func @transform_5(%arg0: i32) -> (i32, i32) {
    %c0_i32 = arith.constant 0 : i32
    %c0_i32_0 = arith.constant 0 : i32
    %c0_i32_1 = arith.constant 0 : i32
    return %c0_i32, %c0_i32_0 : i32, i32
  }
  func.func @transform_6(%arg0: i32) -> (i32, i32) {
    %c0_i32 = arith.constant 0 : i32
    %c0_i32_0 = arith.constant 0 : i32
    %c0_i32_1 = arith.constant 0 : i32
    return %c0_i32, %c0_i32_0 : i32, i32
  }
  func.func @transform_7(%arg0: i32) -> (i32, i32) {
    %c0_i32 = arith.constant 0 : i32
    %c0_i32_0 = arith.constant 0 : i32
    %c0_i32_1 = arith.constant 0 : i32
    return %c0_i32, %c0_i32_0 : i32, i32
  }
  func.func @transform_8(%arg0: i32) -> (i32, i32) {
    %c0_i32 = arith.constant 0 : i32
    %c0_i32_0 = arith.constant 0 : i32
    return %arg0, %c0_i32 : i32, i32
  }
}

</mosaic_0001>

<sc_bundles>
// kernel: kernel.10.cloned.1.call-start
scs
__scs_entry_jumppad:
0x0: {  	(pc) =	sbr.rel $0x88, $3  }
0x1: {  	(tag) =	ssettag $0x0;
	lr =	simm.s32 $0x1  }
0x2: {  	[smem:$0x3F94] =	sst lr;
	_ =	strace $0xD0000000  }
0x3: {  	_ = 	snop  }
0x4: {  	_ = 	snop  }
0x5: {  	_ = 	snop  }
0x6: {  	_ = 	snop  }
0x7: {  	_ = 	snop  }
__scs_overlays_trampoline_lowered:
0x8: {  	[smem:$0x3FA3] =	sst s0  }
0x9: {  	[smem:$0x3FA4] =	sst s1  }
0xa: {  	[smem:$0x3FA5] =	sst s2  }
0xb: {  	[smem:$0x3FA6] =	sst s3  }
0xc: {  	[smem:$0x3FA7] =	sst s4  }
0xd: {  	[smem:$0x3FA8] =	sst s5  }
0xe: {  	[smem:$0x3FA9] =	sst s6  }
0xf: {  	[smem:$0x3FAA] =	sst s7  }
0x10: {  	[smem:$0x3FAB] =	sst s8  }
0x11: {  	[smem:$0x3FAC] =	sst s9;
	s0 =	simm.s32 @!p0 $0x0  }
0x12: {  	s1 =	sld [smem:$0x3F92];
	s0 =	simm.s32 @p0 $0x1  }
0x13: {  	[smem:$0x3FAD] =	sst s0;
	s0 =	simm.s32 @!p1 $0x0  }
0x14: {  	s2 =	sld [smem:$0x3F91];
	s0 =	simm.s32 @p1 $0x1  }
0x15: {  	[smem:$0x3FAE] =	sst s0;
	s0 =	simm.s32 @!p2 $0x0  }
0x16: {  	s3 =	sld [smem:$0x3FDB];
	s0 =	simm.s32 @p2 $0x1  }
0x17: {  	s4 =	simm.s32 $0x1BF5;
	[smem:$0x3FB0] =	sst s0  }
0x18: {  	s0 =	sld [smem:$0x3F93];
	_ =	swait.ge [sflag:s4], $0x0  }
0x19: {  	s7 =	sld [smem:$0x3F94]  }
0x1a: {  	s8 =	sadd.s32 $0xFFFFE003, lr  }
0x1b: {  	s9 =	sadd.s32 $0xFFFFFEF7, lr;
	s5 =	simm.s32 $0xFFFFFFFF;
	p2 =	slt.u32 s8, $0xFFFFF086  }
0x1c: {  	p1 =	slt.u32 s9, $0xF7A;
	s5 =	simm.s32 @!p2 $0x0  }
0x1d: {  	s5 =	simm.s32 @p1 $0x1;
	p0 =	seq.s32 s7, s2  }
0x1e: {  	s7 =	smul.u32 @!p0 $0xF7A, s2;
	p2 =	seq.s32 @!p0 s5, $0x0  }
0x1f: {  	s9 =	smul.u32 $0xF7A, s1;
	s8 =	simm.s32 @!p0 $0x1BF5;
	p2 =	por !p2, p0  }
0x20: {  	[sflag:s8] =	ssyncset.s32 @!p0 $0xFFFFF086;
	s6 =	sadd.s32 @!p0 s3, s7;
	s7 =	simm.s32 @!p0 $0x108  }
0x21: {  	s3 =	sadd.s32 s3, s9;
	s6 =	sadd.s32 @!p0 $0x88, s6;
	s7 =	simm.s32 @p2 $0x1082  }
0x22: {  	[simem:s7], [sflag:s8] =	dma.local @!p0 [hbm:s6], $0xF7A  }
0x23: {  	s9 =	sor.u32 $0xD0000000, s2;
	s6 =	simm.s32 $0x108;
	_ =	swait.ge @!p0 [sflag:s8], $0x0  }
0x24: {  	s3 =	sadd.s32 $0x88, s3;
	s6 =	simm.s32 @!p1 $0x1082;
	[sflag:s4] =	ssyncset.s32 $0xFFFFF086  }
0x25: {  	[simem:s6], [sflag:s4] =	dma.local [hbm:s3], $0xF7A  }
0x26: {  	[smem:$0x3F94] =	sst s1;
	(tag) =	ssettag s2;
	_ =	strace s9  }
0x27: {  	s1 =	sld [smem:$0x3FA4]  }
0x28: {  	s2 =	sld [smem:$0x3FA5]  }
0x29: {  	s4 =	sld [smem:$0x3FA7]  }
0x2a: {  	p0 =	seq.s32 s5, $0x0;
	s5 =	sld [smem:$0x3FA8]  }
0x2b: {  	s6 =	sld [smem:$0x3FA9]  }
0x2c: {  	s7 =	sld [smem:$0x3FAA]  }
0x2d: {  	s3 =	simm.s32 $0x108;
	s8 =	sld [smem:$0x3FAB]  }
0x2e: {  	s3 =	simm.s32 @!p0 $0x1082;
	s9 =	sld [smem:$0x3FAC]  }
0x2f: {  	lr =	sadd.s32 s0, s3;
	s0 =	sld [smem:$0x3FA3]  }
0x30: {  	s3 =	sld [smem:$0x3FA6]  }
0x31: {  	[smem:$0x3FAF] =	sst s10  }
0x32: {  	s10 =	sld [smem:$0x3FAD];
	_ =	sdelay $0x3  }
0x33: {  	p0 =	seq.s32 s10, $0x1;
	s10 =	sld [smem:$0x3FAF];
	_ =	sdelay $0x3  }
0x34: {  	[smem:$0x3FAF] =	sst s10  }
0x35: {  	s10 =	sld [smem:$0x3FAE];
	_ =	sdelay $0x3  }
0x36: {  	p1 =	seq.s32 s10, $0x1;
	s10 =	sld [smem:$0x3FAF];
	_ =	sdelay $0x3  }
0x37: {  	[smem:$0x3FAF] =	sst s10  }
0x38: {  	s10 =	sld [smem:$0x3FB0]  }
0x39: {  	_ = 	snop;
	(pc) =	sbr.ind lr, $3  }
0x3a: {  	_ = 	snop  }
0x3b: {  	_ = 	snop  }
0x3c: {  	p2 =	seq.s32 s10, $0x1;
	s10 =	sld [smem:$0x3FAF]  }
0x3d: {  	_ =	shalt  }
0x3e: {  	_ =	shalt  }
0x3f: {  	_ =	shalt  }
0x40: {  	_ =	shalt  }
0x41: {  	_ =	shalt  }
0x42: {  	_ =	shalt  }
0x43: {  	_ =	shalt  }
0x44: {  	_ =	shalt  }
0x45: {  	_ =	shalt  }
0x46: {  	_ =	shalt  }
0x47: {  	_ =	shalt  }
0x48: {  	_ =	shalt  }
0x49: {  	_ =	shalt  }
0x4a: {  	_ =	shalt  }
0x4b: {  	_ =	shalt  }
0x4c: {  	_ =	shalt  }
0x4d: {  	_ =	shalt  }
0x4e: {  	_ =	shalt  }
0x4f: {  	_ =	shalt  }
0x50: {  	_ =	shalt  }
0x51: {  	_ =	shalt  }
0x52: {  	_ =	shalt  }
0x53: {  	_ =	shalt  }
0x54: {  	_ =	shalt  }
0x55: {  	_ =	shalt  }
0x56: {  	_ =	shalt  }
0x57: {  	_ =	shalt  }
0x58: {  	_ =	shalt  }
0x59: {  	_ =	shalt  }
0x5a: {  	_ =	shalt  }
0x5b: {  	_ =	shalt  }
0x5c: {  	_ =	shalt  }
0x5d: {  	_ =	shalt  }
0x5e: {  	_ =	shalt  }
0x5f: {  	_ =	shalt  }
0x60: {  	_ =	shalt  }
0x61: {  	_ =	shalt  }
0x62: {  	_ =	shalt  }
0x63: {  	_ =	shalt  }
0x64: {  	_ =	shalt  }
0x65: {  	_ =	shalt  }
0x66: {  	_ =	shalt  }
0x67: {  	_ =	shalt  }
0x68: {  	_ =	shalt  }
0x69: {  	_ =	shalt  }
0x6a: {  	_ =	shalt  }
0x6b: {  	_ =	shalt  }
0x6c: {  	_ =	shalt  }
0x6d: {  	_ =	shalt  }
0x6e: {  	_ =	shalt  }
0x6f: {  	_ =	shalt  }
0x70: {  	_ =	shalt  }
0x71: {  	_ =	shalt  }
0x72: {  	_ =	shalt  }
0x73: {  	_ =	shalt  }
0x74: {  	_ =	shalt  }
0x75: {  	_ =	shalt  }
0x76: {  	_ =	shalt  }
0x77: {  	_ =	shalt  }
0x78: {  	_ =	shalt  }
0x79: {  	_ =	shalt  }
0x7a: {  	_ =	shalt  }
0x7b: {  	_ =	shalt  }
0x7c: {  	_ =	shalt  }
0x7d: {  	_ =	shalt  }
0x7e: {  	_ =	shalt  }
0x7f: {  	_ =	shalt  }
0x80: {  	_ =	shalt  }
0x81: {  	_ =	shalt  }
0x82: {  	_ =	shalt  }
0x83: {  	_ =	shalt  }
0x84: {  	_ =	shalt  }
0x85: {  	_ =	shalt  }
0x86: {  	_ =	shalt  }
0x87: {  	_ =	shalt  }
.Lfunc_end0:
.L_simem_size_0:
called_computation.1_lowered:
.L_overlay_start_0:
0x88: {  	s2 =	sld [smem:$0x3FD9]  }
0x89: {  	s3 =	sld [smem:$0x3FFE];
	_ =	sdelay $0x1  }
0x8a: {  	s1 =	srdreg.scid  }
0x8b: {  	s0 =	sand.u32 $0x1, s1  }
0x8c: {  	s17 =	sshll.u32 s0, $0xA;
	s2 =	sadd.s32 s3, s2  }
0x8d: {  	s2 =	sadd.s32 s2, s17  }
0x8e: {  	[smem:$0x3FBB] =	sst s2  }
0x8f: {  	_ = 	snop  }
0x90: {  	s2 =	sld [smem:$0x3FD0];
	(tm) =	ssettm $0x1  }
0x91: {  	s18 =	sld [smem:$0x3FFB];
	_ =	sdelay $0x3  }
0x92: {  	_ =	strace s18  }
0x93: {  	s3 =	sld [smem:$0x3FFC];
	_ =	sdelay $0x3  }
0x94: {  	_ =	strace s3  }
0x95: {  	s3 =	sld [smem:$0x3FFD];
	_ =	sdelay $0x3  }
0x96: {  	_ =	strace s3  }
0x97: {  	_ =	strace $0x8FFFFFFF  }
0x98: {  	s19 =	sld [smem:$0x3FDB];
	_ =	sdelay $0x1  }
0x99: {  	s4 =	simm.s32 $_scs_section_size  }
0x9a: {  	s5 =	simm.s32 $_size__tile_overlayer_lowered;
	s6 =	simm.s32 $_tile_overlayer_lowered  }
0x9b: {  	s22 =	simm.s32 $0x1BFF;
	s21 =	sshll.u32 s6, $0x1;
	s3 =	sadd.s32 s4, s19  }
0x9c: {  	s7 =	simm.s32 $0x0;
	s20 =	sshll.u32 s5, $0x1;
	s5 =	sadd.s32 s21, s3  }
0x9d: {  	[timem:s7], [sflag:s22] =	dma.local [hbm:s5], s20  }
0x9e: {  	_ =	swait.ge [sflag:s22], s20  }
0x9f: {  	s4 =	ssub.s32 $0x0, s20;
	[sflag:s22] =	ssyncset.done $0x0  }
0xa0: {  	[sflag:s22] =	ssyncadd.s32 s4;
	_ =	sdelay $0x1  }
0xa1: {  	s23 =	simm.s32 $0x1B8B  }
0xa2: {  	_ =	swait.ge [sflag:s23], $0x1  }
0xa3: {  	[sflag:s23] =	ssyncset.done $0x0  }
0xa4: {  	s25 =	simm.s32 $0x1B8E;
	s24 =	sld [smem:$0x3FFE];
	[sflag:s23] =	ssyncadd.s32 $0xFFFFFFFF  }
0xa5: {  	s26 =	simm.s32 $execute0_lowered;
	[smem:$0x3FD2] =	sst s25  }
0xa6: {  	s5 =	sshll.u32 s26, $0x1;
	_ =	strace $0x80000049;
	[dreg:$0x1] =	wrdreg $0xFFFFFFFF  }
0xa7: {  	s28 =	simm.s32 $_size_execute0_lowered;
	s3 =	sadd.s32 s3, s5;
	[dreg:$0x0] =	wrdreg $0x0  }
0xa8: {  	s5 =	sshll.u32 s28, $0x1;
	[dreg:$0x2] =	wrdreg s3  }
0xa9: {  	[dreg:$0x3] =	wrdreg s5  }
0xaa: {  	[dreg:$0x4] =	wrdreg $0xC0  }
0xab: {  	_ =	task [dreg:s7], $0x5FFFF  }
0xac: {  	[dreg:$0x1] =	wrdreg $0xFFFFFFFF  }
0xad: {  	[dreg:$0x0] =	wrdreg $0x60  }
0xae: {  	[dreg:$0x2] =	wrdreg s24  }
0xaf: {  	[dreg:$0x3] =	wrdreg s2  }
0xb0: {  	[dreg:$0x4] =	wrdreg $0x53000  }
0xb1: {  	[dreg:$0x5] =	wrdreg $0x18B800  }
0xb2: {  	[dreg:$0x6] =	wrdreg $0x9  }
0xb3: {  	_ =	task.clear_ibuf [dreg:s7], $0x7FFFF;
	_ =	strace $0x90000049  }
0xb4: {  	s29 =	simm.s32 $0x9;
	_ =	strace $0x8000004B  }
0xb5: {  	_ =	swait.ge [sflag:s29], $0x1  }
0xb6: {  	[sflag:s29] =	ssyncadd.s32 $0xFFFFFFFF  }
0xb7: {  	_ =	strace $0x9000004B  }
0xb8: {  	_ =	sfence  }
0xb9: {  	s30 =	sld [smem:$0x0];
	_ =	sdelay $0x2  }
0xba: {  	s31 =	sshll.u32 s1, $0xD;
	s1 =	sshrl.u32 s1, $0x2  }
0xbb: {  	s3 =	sand.u32 $0x4000, s31;
	s1 =	sadd.s32 s1, s30  }
0xbc: {  	s0 =	sor.u32 s3, s0;
	s1 =	sshll.u32 s1, $0x11  }
0xbd: {  	s0 =	sor.u32 s1, s0  }
0xbe: {  	s0 =	sadd.s32 $0x8F2B, s0  }
0xbf: {  	[sflag:s0] =	ssyncadd.remote.s32 $0x1  }
0xc0: {  	_ =	sfence.sel $0xFFFF  }
0xc1: {  	[dreg:$0x0] =	wrdreg $0xFFFFFFFF;
	(pc) =	sbr.abs _section_cstart, $3  }
0xc2: {  	[dreg:$0x1] =	wrdreg $0xFFFFFFFF  }
0xc3: {  	_ =	task.clear_ibuf [dreg:s7], $0x2FFFF;
	_ =	strace $0x9FFFFFFF  }
0xc4: {  	(tm) =	ssettm $0x7FFFFFFF  }
0xc5: {  	_ =	shalt  }
tec
execute0_lowered:
.L_overlay_start_1:
0x0: {  	(tag) =	ssettag $0x1  }
0x1: {  	s0 =	srdreg.scid;
	s25 =	stileid.u32  }
0x2: {  	s4 =	rddreg [dreg:$0x0];
	s6 =	smul.u32 $0x2710, s25  }
0x3: {  	s2 =	rddreg [dreg:$0x2];
	s1 =	sand.u32 $0x1, s0;
	s26 =	smul.u32 $0x2800, s25  }
0x4: {  	s3 =	rddreg [dreg:$0x3];
	s28 =	simm.s32 $0x5100;
	s5 =	smul.u32 $0x27100, s1  }
0x5: {  	s29 =	simm.s32 $0x80;
	s14 =	sor.u32 $0x10, s25;
	s7 =	smul.u32 $0x271000, s1  }
0x6: {  	s30 =	simm.s32 $0x50;
	s15 =	sor.u32 $0x20, s25;
	s8 =	smul.u32 $0x2800, s14  }
0x7: {  	s31 =	simm.s32 $0x2880;
	s16 =	sor.u32 $0x30, s25;
	s9 =	smul.u32 $0x2800, s15  }
0x8: {  	s0 =	rddreg [dreg:$0x1];
	s17 =	sor.u32 $0x40, s25;
	s10 =	smul.u32 $0x2800, s16  }
0x9: {  	s18 =	sor.u32 $0x50, s25;
	s19 =	sor.u32 $0x60, s25;
	s21 =	smul.u32 $0x2800, s17  }
0xa: {  	s20 =	sor.u32 $0x70, s25;
	s22 =	ssub.s32 $0x2, s1;
	s15 =	smul.u32 $0xA000, s15  }
0xb: {  	s17 =	smul.u32 $0xA000, s17;
	p0 =	sgt.u32 s20, $0x7C;
	s24 =	sshrl.u32 s22, $0x1  }
0xc: {  	p1 =	sne.s32 @!p0 s25, $0x0;
	s5 =	sadd.s32 s6, s5;
	s6 =	smul.u32 $0x138800, s1  }
0xd: {  	s13 =	sadd.s32 s7, s4;
	s1 =	smul.u32 $0x4E2, s1;
	s5 =	sshrl.u32 s5, $0x3  }
0xe: {  	p1 =	por p0, p1;
	s23 =	sadd.s32 s5, s4;
	s4 =	sadd.s32 $0x16C00, s4  }
0xf: {  	s5 =	ssub.s32 s22, s24;
	s7 =	sadd.s32 s6, s26;
	s24 =	smul.u32 $0x2800, s18  }
0x10: {  	s8 =	sadd.s32 s6, s8;
	s11 =	sadd.s32 s6, s9;
	s26 =	smul.u32 $0x2800, s19  }
0x11: {  	s12 =	sadd.s32 s6, s10;
	s9 =	sadd.s32 s6, s21;
	s18 =	smul.u32 $0xA000, s18  }
0x12: {  	s7 =	sshrl.u32 s7, $0x3;
	s22 =	sshrl.u32 s12, $0x3;
	s12 =	smul.u32 $0x2800, s20  }
0x13: {  	s8 =	sshrl.u32 s8, $0x3;
	s9 =	sshrl.u32 s9, $0x3;
	s20 =	smul.u32 $0xA000, s20  }
0x14: {  	s23 =	sadd.s32 $0xCE00, s23;
	s7 =	sadd.s32 s4, s7;
	s8 =	sadd.s32 s4, s8  }
0x15: {  	s9 =	sadd.s32 s4, s9;
	s10 =	sadd.s32 s6, s26;
	[dreg:$0x5] =	wrdreg s7  }
0x16: {  	s26 =	smul.u32 $0xA000, s16;
	[dreg:$0x6] =	wrdreg s8;
	s7 =	sshrl.u32 s11, $0x3  }
0x17: {  	s11 =	sadd.s32 s6, s24;
	[dreg:$0x9] =	wrdreg s9;
	s10 =	sshrl.u32 s10, $0x3  }
0x18: {  	s6 =	sadd.s32 s6, s12;
	s12 =	simm.s32 $0x0;
	s24 =	smul.u32 $0xA000, s14  }
0x19: {  	s8 =	sshrl.u32 s15, $0x2;
	s7 =	sadd.s32 s4, s7;
	s21 =	sshrl.u32 s11, $0x3  }
0x1a: {  	s10 =	sadd.s32 s4, s10;
	s6 =	sshrl.u32 s6, $0x3;
	[smem:$0x7FF] =	sst s12  }
0x1b: {  	s16 =	sadd.s32 s8, s2;
	[dreg:$0x7] =	wrdreg s7;
	s7 =	sadd.s32 s4, s22  }
0x1c: {  	s9 =	sadd.s32 s4, s21;
	s21 =	smul.u32 $0x27100, s25;
	s11 =	sadd.s32 s4, s6  }
0x1d: {  	s22 =	smul.u32 $0xA000, s25;
	s25 =	simm.s32 $0x2900;
	[dreg:$0x8] =	wrdreg s7  }
0x1e: {  	s7 =	sshrl.u32 s24, $0x2;
	s6 =	sadd.s32 s21, s13;
	_ =	strace $0x8000004A  }
0x1f: {  	s4 =	sshrl.u32 s22, $0x2;
	s13 =	smax.u32 s5, $0x1;
	s15 =	sadd.s32 s7, s2  }
0x20: {  	s21 =	sshrl.u32 s17, $0x2;
	s22 =	smul.u32 $0xA000, s19;
	s5 =	sshrl.u32 s18, $0x2  }
.Ltmp0:
0x21: {  	s14 =	sadd.s32 s4, s2;
	s4 =	sshrl.u32 s26, $0x2;
	(pc) =	sbr.rel .LBB2_1-.Ltmp0, $4  }
0x22: {  	s18 =	sadd.s32 s21, s2;
	s19 =	sadd.s32 s5, s2;
	s26 =	sshrl.u32 s20, $0x2  }
0x23: {  	s17 =	sadd.s32 s4, s2;
	s24 =	sshrl.u32 s22, $0x2;
	s21 =	sadd.s32 s26, s2  }
0x24: {  	s22 =	sadd.s32 $0xA51000, s6;
	s26 =	simm.s32 $0x1;
	s20 =	sadd.s32 s24, s2  }
0x25: {  	v0 =	vimm.f32 $0.0e+00;
	v1 =	vimm.f32 $1.000000000e+00;
	s24 =	sadd.s32 s1, s0;
	s1 =	simm.s32 $0x2;
	s0 =	simm.s32 $0x0  }
.LBB2_12:
0x26: {  	[sflag:s26] =	ssyncadd.s32 $0xFFFFFE70  }
.LBB2_13:
0x27: {  	s0 =	sadd.s32 $0x1, s0  }
0x28: {  	p2 =	sne.s32 s0, s13  }
.Ltmp1:
0x29: {  	_ = 	snop;
	(pc) =	sbr.rel @!p2 .LBB2_14-.Ltmp1, $1  }
0x2a: {  	_ =	sdelay $0x3  }
.LBB2_1:
0x2b: {  	s4 =	simm.s32 $0x0;
	s5 =	simm.s32 $0x200  }
.LBB2_2:
0x2c: {  	p2 =	sne.s32 s5, $0x9E00;
	[tilespmem:s4+$0x2970] =	vst v0  }
0x2d: {  	[tilespmem:s4+$0x2900] =	vst v0  }
0x2e: {  	[tilespmem:s4+$0x2910] =	vst v0  }
.Ltmp2:
0x2f: {  	[tilespmem:s4+$0x2920] =	vst v0;
	(pc) =	sbr.rel @p2 .LBB2_2-.Ltmp2, $4  }
0x30: {  	[tilespmem:s4+$0x2930] =	vst v0  }
0x31: {  	[tilespmem:s4+$0x2940] =	vst v0  }
0x32: {  	[tilespmem:s4+$0x2950] =	vst v0  }
0x33: {  	[tilespmem:s4+$0x2960] =	vst v0;
	s4 =	sshra.s32 s5, $0x2;
	s5 =	sadd.s32 $0x200, s5  }
0x34: {  	[tilespmem:s4+$0x2970] =	vst v0  }
0x35: {  	[tilespmem:s4+$0x2900] =	vst v0  }
0x36: {  	[tilespmem:s4+$0x2910] =	vst v0  }
0x37: {  	[tilespmem:s4+$0x2920] =	vst v0  }
0x38: {  	[tilespmem:s4+$0x2930] =	vst v0  }
0x39: {  	[tilespmem:s4+$0x2940] =	vst v0  }
0x3a: {  	[tilespmem:s4+$0x2950] =	vst v0  }
0x3b: {  	[tilespmem:s4+$0x2960] =	vst v0  }
0x3c: {  	[tilespmem:$0x5100] =	vst v0  }
0x3d: {  	[tilespmem:$0x5110] =	vst v0  }
0x3e: {  	[tilespmem:$0x5120] =	vst v0  }
0x3f: {  	[tilespmem:$0x5130] =	vst v0  }
0x40: {  	[tilespmem:$0x5140] =	vst v0  }
0x41: {  	[tilespmem:$0x5150] =	vst v0  }
0x42: {  	[tilespmem:$0x5160] =	vst v0  }
0x43: {  	[tilespmem:$0x5170] =	vst v0  }
0x44: {  	[tilespmem:$0x5180] =	vst v0  }
0x45: {  	[tilespmem:$0x5190] =	vst v0  }
0x46: {  	[tilespmem:$0x51A0] =	vst v0  }
0x47: {  	[tilespmem:$0x51B0] =	vst v0  }
0x48: {  	[tilespmem:$0x51C0] =	vst v0  }
0x49: {  	[tilespmem:$0x51D0] =	vst v0  }
0x4a: {  	[tilespmem:$0x51E0] =	vst v0  }
0x4b: {  	[tilespmem:$0x51F0] =	vst v0  }
0x4c: {  	[tilespmem:$0x5200] =	vst v0  }
0x4d: {  	[tilespmem:$0x5210] =	vst v0  }
0x4e: {  	[tilespmem:$0x5220] =	vst v0  }
0x4f: {  	[tilespmem:$0x5230] =	vst v0  }
0x50: {  	[tilespmem:$0x5240] =	vst v0  }
0x51: {  	[tilespmem:$0x5250] =	vst v0  }
0x52: {  	[tilespmem:$0x5260] =	vst v0  }
0x53: {  	[tilespmem:$0x5270] =	vst v0  }
0x54: {  	[tilespmem:$0x5280] =	vst v0  }
0x55: {  	[tilespmem:$0x2880] =	vst v1  }
0x56: {  	[tilespmem:$0x2890] =	vst v1  }
0x57: {  	[tilespmem:$0x28A0] =	vst v1  }
0x58: {  	[tilespmem:$0x28B0] =	vst v1  }
0x59: {  	[tilespmem:$0x28C0] =	vst v1  }
0x5a: {  	[spmem:s14] =	stream.linear.scatter [tilespmem:s25], [sflag:$0x1], $0x2800, $0x38;
	[tilespmem:$0x18DF8] =	vst v63  }
0x5b: {  	_ =	swait.ge [sflag:s26], $0x2800  }
0x5c: {  	[sflag:s26] =	ssyncset.done $0x0  }
0x5d: {  	[sflag:s26] =	ssyncadd.s32 $0xFFFFD800  }
0x5e: {  	[spmem:s15] =	stream.linear.scatter [tilespmem:s25], [sflag:$0x1], $0x2800, $0x38;
	[tilespmem:$0x18DF8] =	vst v63  }
0x5f: {  	_ =	swait.ge [sflag:s26], $0x2800  }
0x60: {  	[sflag:s26] =	ssyncset.done $0x0  }
0x61: {  	[sflag:s26] =	ssyncadd.s32 $0xFFFFD800  }
0x62: {  	[spmem:s16] =	stream.linear.scatter [tilespmem:s25], [sflag:$0x1], $0x2800, $0x38;
	[tilespmem:$0x18DF8] =	vst v63  }
0x63: {  	_ =	swait.ge [sflag:s26], $0x2800  }
0x64: {  	[sflag:s26] =	ssyncset.done $0x0  }
0x65: {  	[sflag:s26] =	ssyncadd.s32 $0xFFFFD800  }
0x66: {  	[spmem:s17] =	stream.linear.scatter [tilespmem:s25], [sflag:$0x1], $0x2800, $0x38;
	[tilespmem:$0x18DF8] =	vst v63  }
0x67: {  	_ =	swait.ge [sflag:s26], $0x2800  }
0x68: {  	[sflag:s26] =	ssyncset.done $0x0  }
0x69: {  	[sflag:s26] =	ssyncadd.s32 $0xFFFFD800  }
0x6a: {  	[spmem:s18] =	stream.linear.scatter [tilespmem:s25], [sflag:$0x1], $0x2800, $0x38;
	[tilespmem:$0x18DF8] =	vst v63  }
0x6b: {  	_ =	swait.ge [sflag:s26], $0x2800  }
0x6c: {  	[sflag:s26] =	ssyncset.done $0x0  }
0x6d: {  	[sflag:s26] =	ssyncadd.s32 $0xFFFFD800  }
0x6e: {  	[spmem:s19] =	stream.linear.scatter [tilespmem:s25], [sflag:$0x1], $0x2800, $0x38;
	[tilespmem:$0x18DF8] =	vst v63  }
0x6f: {  	_ =	swait.ge [sflag:s26], $0x2800  }
0x70: {  	[sflag:s26] =	ssyncset.done $0x0  }
0x71: {  	[sflag:s26] =	ssyncadd.s32 $0xFFFFD800  }
0x72: {  	[spmem:s20] =	stream.linear.scatter [tilespmem:s25], [sflag:$0x1], $0x2800, $0x38;
	[tilespmem:$0x18DF8] =	vst v63  }
0x73: {  	_ =	swait.ge [sflag:s26], $0x2800  }
0x74: {  	[sflag:s26] =	ssyncset.done $0x0  }
0x75: {  	s4 =	simm.s32 @!p0 $0x2900;
	[sflag:s26] =	ssyncadd.s32 $0xFFFFD800  }
0x76: {  	[spmem:s21] =	stream.linear.scatter @!p0 [tilespmem:s4], [sflag:$0x1], $0x2800, $0x38;
	[tilespmem:$0x18DF8] =	vst v63  }
.Ltmp3:
0x77: {  	_ = 	snop;
	(pc) =	sbr.rel @p1 .LBB2_7-.Ltmp3, $4  }
0x78: {  	s4 =	simm.s32 @!p0 $0x1  }
0x79: {  	_ =	swait.ge @!p0 [sflag:s4], $0x2800  }
0x7a: {  	[sflag:s4] =	ssyncset.done @!p0 $0x0  }
0x7b: {  	[sflag:s4] =	ssyncadd.s32 @!p0 $0xFFFFD800  }
0x7c: {  	s4 =	sadd.s32 $0x0, s3  }
0x7d: {  	[spmem:s4] =	stream.linear.scatter [tilespmem:s28], [sflag:$0x1], $0x190, $0x38;
	[tilespmem:$0x18DF8] =	vst v63  }
0x7e: {  	s4 =	simm.s32 $0x640;
	_ =	swait.ge [sflag:s26], $0x190  }
.LBB2_5:
0x7f: {  	s5 =	sshra.s32 s4, $0x2;
	[sflag:s26] =	ssyncset.done $0x0;
	p2 =	sne.s32 s4, $0x9600  }
.Ltmp4:
0x80: {  	s5 =	sadd.s32 s5, s3;
	[sflag:s26] =	ssyncadd.s32 $0xFFFFFE70;
	(pc) =	sbr.rel @p2 .LBB2_5-.Ltmp4, $3  }
0x81: {  	[spmem:s5] =	stream.linear.scatter [tilespmem:s28], [sflag:$0x1], $0x190, $0x38;
	[tilespmem:$0x18DF8] =	vst v63  }
0x82: {  	s4 =	sadd.s32 $0x640, s4;
	_ =	sdelay $0x1  }
0x83: {  	_ =	swait.ge [sflag:s26], $0x190  }
0x84: {  	[sflag:s26] =	ssyncset.done $0x0  }
0x85: {  	[sflag:s26] =	ssyncadd.s32 $0xFFFFFE70  }
.LBB2_7:
0x86: {  	[bflag:$0x0] =	sbarrier.arrive $0xFFFF;
	s4 =	sadd.s32 $0x0, s23  }
0x87: {  	[tilespmem:s12], [sflag:$0x1] =	stream.linear.gather [hbm4b:s4+s12], $0x50, $0x38;
	[tilespmem:$0x18DF8] =	vst v63  }
0x88: {  	_ =	swait.ge [sflag:s26], $0x50  }
0x89: {  	[sflag:s26] =	ssyncset.done $0x0  }
0x8a: {  	[sflag:s26] =	ssyncadd.s32 $0xFFFFFFB0  }
0x8b: {  	[tilespmem:s29], [sflag:$0x1] =	stream.linear.gather [hbm4b:s22+s12], $0x2800, $0x38;
	[tilespmem:$0x18DF8] =	vst v63  }
0x8c: {  	_ =	swait.ge [sflag:s26], $0x2800  }
0x8d: {  	[sflag:s26] =	ssyncset.done $0x0  }
0x8e: {  	[sflag:s26] =	ssyncadd.s32 $0xFFFFD800  }
0x8f: {  	[spmem:s2] =	stream.indirect.scatter.add.f32 [tilespmem:s29], [sflag:$0x1], $0x80, s12, s30, $0xb8;
	[tilespmem:$0x18DF8] =	vst v63  }
0x90: {  	_ =	swait.ge [sflag:s26], $0x2800  }
0x91: {  	[sflag:s26] =	ssyncset.done $0x0  }
0x92: {  	[sflag:s26] =	ssyncadd.s32 $0xFFFFD800  }
0x93: {  	[spmem:s3] =	stream.indirect.scatter.add.f32 [tilespmem:s31], [sflag:$0x1], $0x1, s12, s30, $0xb8;
	[tilespmem:$0x18DF8] =	vst v63  }
0x94: {  	s5 =	simm.s32 $0xA;
	_ =	swait.ge [sflag:s26], $0x50  }
0x95: {  	s6 =	simm.s32 $0x14;
	s4 =	sadd.s32 $0x500, s22;
	[sflag:s26] =	ssyncset.done $0x0  }
.LBB2_8:
0x96: {  	s7 =	sadd.s32 s5, s23  }
0x97: {  	[sflag:s26] =	ssyncadd.s32 $0xFFFFFFB0;
	s5 =	smov.u32 s6;
	s8 =	sadd.s32 $0xA, s6  }
0x98: {  	[tilespmem:s12], [sflag:$0x1] =	stream.linear.gather [hbm4b:s7+s12], $0x50, $0x38;
	[tilespmem:$0x18DF8] =	vst v63  }
0x99: {  	p2 =	sne.s32 s6, $0x4D8;
	_ =	swait.ge [sflag:s26], $0x50  }
0x9a: {  	[sflag:s26] =	ssyncset.done $0x0  }
0x9b: {  	[sflag:s26] =	ssyncadd.s32 $0xFFFFFFB0  }
0x9c: {  	[tilespmem:s29], [sflag:$0x1] =	stream.linear.gather [hbm4b:s4+s12], $0x2800, $0x38;
	[tilespmem:$0x18DF8] =	vst v63  }
0x9d: {  	_ =	swait.ge [sflag:s26], $0x2800  }
0x9e: {  	[sflag:s26] =	ssyncset.done $0x0  }
0x9f: {  	[sflag:s26] =	ssyncadd.s32 $0xFFFFD800  }
0xa0: {  	[spmem:s2] =	stream.indirect.scatter.add.f32 [tilespmem:s29], [sflag:$0x1], $0x80, s12, s30, $0xb8;
	[tilespmem:$0x18DF8] =	vst v63  }
0xa1: {  	_ =	swait.ge [sflag:s26], $0x2800  }
.Ltmp5:
0xa2: {  	[sflag:s26] =	ssyncset.done $0x0;
	(pc) =	sbr.rel @p2 .LBB2_8-.Ltmp5, $4  }
0xa3: {  	[sflag:s26] =	ssyncadd.s32 $0xFFFFD800  }
0xa4: {  	[spmem:s3] =	stream.indirect.scatter.add.f32 [tilespmem:s31], [sflag:$0x1], $0x1, s12, s30, $0xb8;
	[tilespmem:$0x18DF8] =	vst v63  }
0xa5: {  	_ =	swait.ge [sflag:s26], $0x50  }
0xa6: {  	s6 =	smov.u32 s8;
	s4 =	sadd.s32 $0x500, s4;
	[sflag:s26] =	ssyncset.done $0x0  }
0xa7: {  	s5 =	sadd.s32 s5, s23;
	[sflag:s26] =	ssyncadd.s32 $0xFFFFFFB0  }
0xa8: {  	[tilespmem:s12], [sflag:$0x1] =	stream.linear.gather [hbm4b:s5+s12], $0x50, $0x38;
	[tilespmem:$0x18DF8] =	vst v63  }
0xa9: {  	_ =	swait.ge [sflag:s26], $0x50  }
0xaa: {  	[sflag:s26] =	ssyncset.done $0x0  }
0xab: {  	[sflag:s26] =	ssyncadd.s32 $0xFFFFFFB0  }
0xac: {  	[tilespmem:s29], [sflag:$0x1] =	stream.linear.gather [hbm4b:s4+s12], $0x2800, $0x38;
	[tilespmem:$0x18DF8] =	vst v63  }
0xad: {  	_ =	swait.ge [sflag:s26], $0x2800  }
0xae: {  	[sflag:s26] =	ssyncset.done $0x0  }
0xaf: {  	[sflag:s26] =	ssyncadd.s32 $0xFFFFD800  }
0xb0: {  	[spmem:s2] =	stream.indirect.scatter.add.f32 [tilespmem:s29], [sflag:$0x1], $0x80, s12, s30, $0xb8;
	[tilespmem:$0x18DF8] =	vst v63  }
0xb1: {  	_ =	swait.ge [sflag:s26], $0x2800  }
0xb2: {  	[sflag:s26] =	ssyncset.done $0x0  }
0xb3: {  	[sflag:s26] =	ssyncadd.s32 $0xFFFFD800  }
0xb4: {  	[spmem:s3] =	stream.indirect.scatter.add.f32 [tilespmem:s31], [sflag:$0x1], $0x1, s12, s30, $0xb8;
	[tilespmem:$0x18DF8] =	vst v63  }
0xb5: {  	_ =	swait.ge [sflag:s26], $0x50  }
0xb6: {  	[sflag:s26] =	ssyncset.done $0x0  }
0xb7: {  	[sflag:s26] =	ssyncadd.s32 $0xFFFFFFB0  }
0xb8: {  	[bflag:$0x0] =	sbarrier.arrive $0xFFFF  }
0xb9: {  	[tilespmem:s25], [sflag:$0x2] =	stream.linear.gather [spmem:s14], $0x2800, $0x38;
	[tilespmem:$0x18DF8] =	vst v63  }
0xba: {  	_ =	swait.ge [sflag:s1], $0x2800  }
0xbb: {  	[sflag:s1] =	ssyncset.done $0x0  }
0xbc: {  	s8 =	rddreg [dreg:$0x5];
	[sflag:s1] =	ssyncadd.s32 $0xFFFFD800  }
0xbd: {  	[hbm4b:s8+s12] =	stream.linear.scatter [tilespmem:s25], [sflag:$0x1], $0x2800, $0x38;
	[tilespmem:$0x18DF8] =	vst v63  }
0xbe: {  	_ =	swait.ge [sflag:s26], $0x2800  }
0xbf: {  	[sflag:s26] =	ssyncset.done $0x0  }
0xc0: {  	[sflag:s26] =	ssyncadd.s32 $0xFFFFD800  }
0xc1: {  	[tilespmem:s25], [sflag:$0x2] =	stream.linear.gather [spmem:s15], $0x2800, $0x38;
	[tilespmem:$0x18DF8] =	vst v63  }
0xc2: {  	_ =	swait.ge [sflag:s1], $0x2800  }
0xc3: {  	[sflag:s1] =	ssyncset.done $0x0  }
0xc4: {  	s5 =	rddreg [dreg:$0x6];
	[sflag:s1] =	ssyncadd.s32 $0xFFFFD800  }
0xc5: {  	[hbm4b:s5+s12] =	stream.linear.scatter [tilespmem:s25], [sflag:$0x1], $0x2800, $0x38;
	[tilespmem:$0x18DF8] =	vst v63  }
0xc6: {  	_ =	swait.ge [sflag:s26], $0x2800  }
0xc7: {  	[sflag:s26] =	ssyncset.done $0x0  }
0xc8: {  	[sflag:s26] =	ssyncadd.s32 $0xFFFFD800  }
0xc9: {  	[tilespmem:s25], [sflag:$0x2] =	stream.linear.gather [spmem:s16], $0x2800, $0x38;
	[tilespmem:$0x18DF8] =	vst v63  }
0xca: {  	_ =	swait.ge [sflag:s1], $0x2800  }
0xcb: {  	[sflag:s1] =	ssyncset.done $0x0  }
0xcc: {  	s6 =	rddreg [dreg:$0x7];
	[sflag:s1] =	ssyncadd.s32 $0xFFFFD800  }
0xcd: {  	[hbm4b:s6+s12] =	stream.linear.scatter [tilespmem:s25], [sflag:$0x1], $0x2800, $0x38;
	[tilespmem:$0x18DF8] =	vst v63  }
0xce: {  	_ =	swait.ge [sflag:s26], $0x2800  }
0xcf: {  	[sflag:s26] =	ssyncset.done $0x0  }
0xd0: {  	[sflag:s26] =	ssyncadd.s32 $0xFFFFD800  }
0xd1: {  	[tilespmem:s25], [sflag:$0x2] =	stream.linear.gather [spmem:s17], $0x2800, $0x38;
	[tilespmem:$0x18DF8] =	vst v63  }
0xd2: {  	_ =	swait.ge [sflag:s1], $0x2800  }
0xd3: {  	[sflag:s1] =	ssyncset.done $0x0  }
0xd4: {  	s7 =	rddreg [dreg:$0x8];
	[sflag:s1] =	ssyncadd.s32 $0xFFFFD800  }
0xd5: {  	[hbm4b:s7+s12] =	stream.linear.scatter [tilespmem:s25], [sflag:$0x1], $0x2800, $0x38;
	[tilespmem:$0x18DF8] =	vst v63  }
0xd6: {  	_ =	swait.ge [sflag:s26], $0x2800  }
0xd7: {  	[sflag:s26] =	ssyncset.done $0x0  }
0xd8: {  	[sflag:s26] =	ssyncadd.s32 $0xFFFFD800  }
0xd9: {  	[tilespmem:s25], [sflag:$0x2] =	stream.linear.gather [spmem:s18], $0x2800, $0x38;
	[tilespmem:$0x18DF8] =	vst v63  }
0xda: {  	_ =	swait.ge [sflag:s1], $0x2800  }
0xdb: {  	[sflag:s1] =	ssyncset.done $0x0  }
0xdc: {  	s8 =	rddreg [dreg:$0x9];
	[sflag:s1] =	ssyncadd.s32 $0xFFFFD800  }
0xdd: {  	[hbm4b:s8+s12] =	stream.linear.scatter [tilespmem:s25], [sflag:$0x1], $0x2800, $0x38;
	[tilespmem:$0x18DF8] =	vst v63  }
0xde: {  	_ =	swait.ge [sflag:s26], $0x2800  }
0xdf: {  	[sflag:s26] =	ssyncset.done $0x0  }
0xe0: {  	[sflag:s26] =	ssyncadd.s32 $0xFFFFD800  }
0xe1: {  	[tilespmem:s25], [sflag:$0x2] =	stream.linear.gather [spmem:s19], $0x2800, $0x38;
	[tilespmem:$0x18DF8] =	vst v63  }
0xe2: {  	_ =	swait.ge [sflag:s1], $0x2800  }
0xe3: {  	[sflag:s1] =	ssyncset.done $0x0  }
0xe4: {  	[sflag:s1] =	ssyncadd.s32 $0xFFFFD800  }
0xe5: {  	[hbm4b:s9+s12] =	stream.linear.scatter [tilespmem:s25], [sflag:$0x1], $0x2800, $0x38;
	[tilespmem:$0x18DF8] =	vst v63  }
0xe6: {  	_ =	swait.ge [sflag:s26], $0x2800  }
0xe7: {  	[sflag:s26] =	ssyncset.done $0x0  }
0xe8: {  	[sflag:s26] =	ssyncadd.s32 $0xFFFFD800  }
0xe9: {  	[tilespmem:s25], [sflag:$0x2] =	stream.linear.gather [spmem:s20], $0x2800, $0x38;
	[tilespmem:$0x18DF8] =	vst v63  }
0xea: {  	_ =	swait.ge [sflag:s1], $0x2800  }
0xeb: {  	[sflag:s1] =	ssyncset.done $0x0  }
0xec: {  	[sflag:s1] =	ssyncadd.s32 $0xFFFFD800  }
0xed: {  	[hbm4b:s10+s12] =	stream.linear.scatter [tilespmem:s25], [sflag:$0x1], $0x2800, $0x38;
	[tilespmem:$0x18DF8] =	vst v63  }
0xee: {  	_ =	swait.ge [sflag:s26], $0x2800  }
0xef: {  	[sflag:s26] =	ssyncset.done $0x0  }
0xf0: {  	s4 =	simm.s32 @!p0 $0x2900;
	s5 =	simm.s32 @!p0 $0x2;
	[sflag:s26] =	ssyncadd.s32 $0xFFFFD800  }
0xf1: {  	[tilespmem:s4], [sflag:$0x2] =	stream.linear.gather @!p0 [spmem:s21], $0x2800, $0x38;
	[tilespmem:$0x18DF8] =	vst v63  }
0xf2: {  	_ =	swait.ge @!p0 [sflag:s5], $0x2800  }
0xf3: {  	[sflag:s5] =	ssyncset.done @!p0 $0x0  }
0xf4: {  	[sflag:s5] =	ssyncadd.s32 @!p0 $0xFFFFD800;
	s5 =	simm.s32 @!p0 $0x0  }
0xf5: {  	[hbm4b:s11+s5] =	stream.linear.scatter @!p0 [tilespmem:s4], [sflag:$0x1], $0x2800, $0x38;
	[tilespmem:$0x18DF8] =	vst v63  }
.Ltmp6:
0xf6: {  	_ = 	snop;
	(pc) =	sbr.rel @p1 .LBB2_13-.Ltmp6, $4  }
0xf7: {  	s4 =	simm.s32 @!p0 $0x1  }
0xf8: {  	_ =	swait.ge @!p0 [sflag:s4], $0x2800  }
0xf9: {  	[sflag:s4] =	ssyncset.done @!p0 $0x0  }
0xfa: {  	[sflag:s4] =	ssyncadd.s32 @!p0 $0xFFFFD800  }
0xfb: {  	[tilespmem:s28], [sflag:$0x1] =	stream.linear.gather [spmem:s3], $0x190, $0x38;
	[tilespmem:$0x18DF8] =	vst v63  }
0xfc: {  	_ =	swait.ge [sflag:s26], $0x190  }
0xfd: {  	[sflag:s26] =	ssyncset.done $0x0  }
0xfe: {  	s4 =	sadd.s32 $0x0, s24;
	[sflag:s26] =	ssyncadd.s32 $0xFFFFFE70  }
0xff: {  	[hbm4b:s4+s12] =	stream.linear.scatter [tilespmem:s28], [sflag:$0x1], $0x190, $0x38;
	[tilespmem:$0x18DF8] =	vst v63  }
0x100: {  	_ =	swait.ge [sflag:s26], $0x190  }
0x101: {  	s5 =	smov.u32 s3;
	s4 =	simm.s32 $0x32;
	[sflag:s26] =	ssyncset.done $0x0  }
.LBB2_11:
0x102: {  	p2 =	sne.s32 s4, $0x4B0;
	[sflag:s26] =	ssyncadd.s32 $0xFFFFFE70;
	s5 =	sadd.s32 $0x190, s5  }
0x103: {  	[tilespmem:s28], [sflag:$0x1] =	stream.linear.gather [spmem:s5], $0x190, $0x38;
	[tilespmem:$0x18DF8] =	vst v63  }
0x104: {  	s6 =	smov.u32 s4;
	s4 =	sadd.s32 $0x32, s4;
	_ =	swait.ge [sflag:s26], $0x190  }
.Ltmp7:
0x105: {  	[sflag:s26] =	ssyncset.done $0x0;
	(pc) =	sbr.rel @p2 .LBB2_11-.Ltmp7, $4  }
0x106: {  	s6 =	sadd.s32 s6, s24;
	[sflag:s26] =	ssyncadd.s32 $0xFFFFFE70  }
0x107: {  	[hbm4b:s6+s12] =	stream.linear.scatter [tilespmem:s28], [sflag:$0x1], $0x190, $0x38;
	[tilespmem:$0x18DF8] =	vst v63  }
0x108: {  	_ =	swait.ge [sflag:s26], $0x190  }
0x109: {  	[sflag:s26] =	ssyncset.done $0x0  }
.Ltmp8:
0x10a: {  	_ = 	snop;
	(pc) =	sbr.rel .LBB2_12-.Ltmp8, $1  }
0x10b: {  	_ =	sdelay $0x3  }
.LBB2_14:
0x10c: {  	_ =	sfence.sel $0x180000  }
0x10d: {  	[bflag:$0x0] =	sbarrier.arrive $0xFFFF  }
0x10e: {  	_ =	strace $0x9000004A  }
0x10f: {  	s0 =	stileid.u32;
	[bflag:$0x2] =	sbarrier.arrive $0xFFFF  }
0x110: {  	p0 =	sne.s32 s0, $0x0;
	s0 =	rddreg [dreg:$0x4]  }
0x111: {  	s0 =	sadd.s32 @!p0 $0x100000, s0  }
0x112: {  	[sflag:s0] =	ssyncadd.tile.s32 @!p0 $0x1;
	_ =	shalt  }
.Lfunc_end2:
_tile_overlayer_lowered:
.L_overlay_start_2:
0x113: {  	(tag) =	ssettag $0x2  }
0x114: {  	s0 =	rddreg [dreg:$0x0];
	s2 =	stileid.u32  }
0x115: {  	s1 =	rddreg [dreg:$0x1];
	p0 =	sne.s32 s2, $0x0  }
0x116: {  	s3 =	rddreg [dreg:$0x2];
	[bflag:$0x3] =	sbarrier.arrive $0xFFFF;
	s2 =	simm.s32 @!p0 $0x1C01  }
0x117: {  	[timem:s3], [sflag:s2] =	dma.local @!p0 [hbm:s0], s1  }
0x118: {  	s0 =	simm.s32 @!p0 $0x1  }
0x119: {  	_ =	swait.ge @!p0 [sflag:s0], s1  }
0x11a: {  	s1 =	ssub.s32 @!p0 $0x0, s1;
	[sflag:s0] =	ssyncset.done @!p0 $0x0  }
0x11b: {  	[sflag:s0] =	ssyncadd.s32 @!p0 s1  }
0x11c: {  	[bflag:$0x3] =	sbarrier.arrive $0xFFFF  }
0x11d: {  	_ =	shalt  }

// kernel: kernel.7.cloned.1.call-start
scs
__scs_entry_jumppad:
0x0: {  	(pc) =	sbr.rel $0x88, $3  }
0x1: {  	(tag) =	ssettag $0x0;
	lr =	simm.s32 $0x1  }
0x2: {  	[smem:$0x3F94] =	sst lr;
	_ =	strace $0xD0000000  }
0x3: {  	_ = 	snop  }
0x4: {  	_ = 	snop  }
0x5: {  	_ = 	snop  }
0x6: {  	_ = 	snop  }
0x7: {  	_ = 	snop  }
__scs_overlays_trampoline_lowered:
0x8: {  	[smem:$0x3FA3] =	sst s0  }
0x9: {  	[smem:$0x3FA4] =	sst s1  }
0xa: {  	[smem:$0x3FA5] =	sst s2  }
0xb: {  	[smem:$0x3FA6] =	sst s3  }
0xc: {  	[smem:$0x3FA7] =	sst s4  }
0xd: {  	[smem:$0x3FA8] =	sst s5  }
0xe: {  	[smem:$0x3FA9] =	sst s6  }
0xf: {  	[smem:$0x3FAA] =	sst s7  }
0x10: {  	[smem:$0x3FAB] =	sst s8  }
0x11: {  	[smem:$0x3FAC] =	sst s9;
	s0 =	simm.s32 @!p0 $0x0  }
0x12: {  	s1 =	sld [smem:$0x3F92];
	s0 =	simm.s32 @p0 $0x1  }
0x13: {  	[smem:$0x3FAD] =	sst s0;
	s0 =	simm.s32 @!p1 $0x0  }
0x14: {  	s2 =	sld [smem:$0x3F91];
	s0 =	simm.s32 @p1 $0x1  }
0x15: {  	[smem:$0x3FAE] =	sst s0;
	s0 =	simm.s32 @!p2 $0x0  }
0x16: {  	s3 =	sld [smem:$0x3FDB];
	s0 =	simm.s32 @p2 $0x1  }
0x17: {  	s4 =	simm.s32 $0x1BF5;
	[smem:$0x3FB0] =	sst s0  }
0x18: {  	s0 =	sld [smem:$0x3F93];
	_ =	swait.ge [sflag:s4], $0x0  }
0x19: {  	s7 =	sld [smem:$0x3F94]  }
0x1a: {  	s8 =	sadd.s32 $0xFFFFE003, lr  }
0x1b: {  	s9 =	sadd.s32 $0xFFFFFEF7, lr;
	s5 =	simm.s32 $0xFFFFFFFF;
	p2 =	slt.u32 s8, $0xFFFFF086  }
0x1c: {  	p1 =	slt.u32 s9, $0xF7A;
	s5 =	simm.s32 @!p2 $0x0  }
0x1d: {  	s5 =	simm.s32 @p1 $0x1;
	p0 =	seq.s32 s7, s2  }
0x1e: {  	s7 =	smul.u32 @!p0 $0xF7A, s2;
	p2 =	seq.s32 @!p0 s5, $0x0  }
0x1f: {  	s9 =	smul.u32 $0xF7A, s1;
	s8 =	simm.s32 @!p0 $0x1BF5;
	p2 =	por !p2, p0  }
0x20: {  	[sflag:s8] =	ssyncset.s32 @!p0 $0xFFFFF086;
	s6 =	sadd.s32 @!p0 s3, s7;
	s7 =	simm.s32 @!p0 $0x108  }
0x21: {  	s3 =	sadd.s32 s3, s9;
	s6 =	sadd.s32 @!p0 $0x88, s6;
	s7 =	simm.s32 @p2 $0x1082  }
0x22: {  	[simem:s7], [sflag:s8] =	dma.local @!p0 [hbm:s6], $0xF7A  }
0x23: {  	s9 =	sor.u32 $0xD0000000, s2;
	s6 =	simm.s32 $0x108;
	_ =	swait.ge @!p0 [sflag:s8], $0x0  }
0x24: {  	s3 =	sadd.s32 $0x88, s3;
	s6 =	simm.s32 @!p1 $0x1082;
	[sflag:s4] =	ssyncset.s32 $0xFFFFF086  }
0x25: {  	[simem:s6], [sflag:s4] =	dma.local [hbm:s3], $0xF7A  }
0x26: {  	[smem:$0x3F94] =	sst s1;
	(tag) =	ssettag s2;
	_ =	strace s9  }
0x27: {  	s1 =	sld [smem:$0x3FA4]  }
0x28: {  	s2 =	sld [smem:$0x3FA5]  }
0x29: {  	s4 =	sld [smem:$0x3FA7]  }
0x2a: {  	p0 =	seq.s32 s5, $0x0;
	s5 =	sld [smem:$0x3FA8]  }
0x2b: {  	s6 =	sld [smem:$0x3FA9]  }
0x2c: {  	s7 =	sld [smem:$0x3FAA]  }
0x2d: {  	s3 =	simm.s32 $0x108;
	s8 =	sld [smem:$0x3FAB]  }
0x2e: {  	s3 =	simm.s32 @!p0 $0x1082;
	s9 =	sld [smem:$0x3FAC]  }
0x2f: {  	lr =	sadd.s32 s0, s3;
	s0 =	sld [smem:$0x3FA3]  }
0x30: {  	s3 =	sld [smem:$0x3FA6]  }
0x31: {  	[smem:$0x3FAF] =	sst s10  }
0x32: {  	s10 =	sld [smem:$0x3FAD];
	_ =	sdelay $0x3  }
0x33: {  	p0 =	seq.s32 s10, $0x1;
	s10 =	sld [smem:$0x3FAF];
	_ =	sdelay $0x3  }
0x34: {  	[smem:$0x3FAF] =	sst s10  }
0x35: {  	s10 =	sld [smem:$0x3FAE];
	_ =	sdelay $0x3  }
0x36: {  	p1 =	seq.s32 s10, $0x1;
	s10 =	sld [smem:$0x3FAF];
	_ =	sdelay $0x3  }
0x37: {  	[smem:$0x3FAF] =	sst s10  }
0x38: {  	s10 =	sld [smem:$0x3FB0]  }
0x39: {  	_ = 	snop;
	(pc) =	sbr.ind lr, $3  }
0x3a: {  	_ = 	snop  }
0x3b: {  	_ = 	snop  }
0x3c: {  	p2 =	seq.s32 s10, $0x1;
	s10 =	sld [smem:$0x3FAF]  }
0x3d: {  	_ =	shalt  }
0x3e: {  	_ =	shalt  }
0x3f: {  	_ =	shalt  }
0x40: {  	_ =	shalt  }
0x41: {  	_ =	shalt  }
0x42: {  	_ =	shalt  }
0x43: {  	_ =	shalt  }
0x44: {  	_ =	shalt  }
0x45: {  	_ =	shalt  }
0x46: {  	_ =	shalt  }
0x47: {  	_ =	shalt  }
0x48: {  	_ =	shalt  }
0x49: {  	_ =	shalt  }
0x4a: {  	_ =	shalt  }
0x4b: {  	_ =	shalt  }
0x4c: {  	_ =	shalt  }
0x4d: {  	_ =	shalt  }
0x4e: {  	_ =	shalt  }
0x4f: {  	_ =	shalt  }
0x50: {  	_ =	shalt  }
0x51: {  	_ =	shalt  }
0x52: {  	_ =	shalt  }
0x53: {  	_ =	shalt  }
0x54: {  	_ =	shalt  }
0x55: {  	_ =	shalt  }
0x56: {  	_ =	shalt  }
0x57: {  	_ =	shalt  }
0x58: {  	_ =	shalt  }
0x59: {  	_ =	shalt  }
0x5a: {  	_ =	shalt  }
0x5b: {  	_ =	shalt  }
0x5c: {  	_ =	shalt  }
0x5d: {  	_ =	shalt  }
0x5e: {  	_ =	shalt  }
0x5f: {  	_ =	shalt  }
0x60: {  	_ =	shalt  }
0x61: {  	_ =	shalt  }
0x62: {  	_ =	shalt  }
0x63: {  	_ =	shalt  }
0x64: {  	_ =	shalt  }
0x65: {  	_ =	shalt  }
0x66: {  	_ =	shalt  }
0x67: {  	_ =	shalt  }
0x68: {  	_ =	shalt  }
0x69: {  	_ =	shalt  }
0x6a: {  	_ =	shalt  }
0x6b: {  	_ =	shalt  }
0x6c: {  	_ =	shalt  }
0x6d: {  	_ =	shalt  }
0x6e: {  	_ =	shalt  }
0x6f: {  	_ =	shalt  }
0x70: {  	_ =	shalt  }
0x71: {  	_ =	shalt  }
0x72: {  	_ =	shalt  }
0x73: {  	_ =	shalt  }
0x74: {  	_ =	shalt  }
0x75: {  	_ =	shalt  }
0x76: {  	_ =	shalt  }
0x77: {  	_ =	shalt  }
0x78: {  	_ =	shalt  }
0x79: {  	_ =	shalt  }
0x7a: {  	_ =	shalt  }
0x7b: {  	_ =	shalt  }
0x7c: {  	_ =	shalt  }
0x7d: {  	_ =	shalt  }
0x7e: {  	_ =	shalt  }
0x7f: {  	_ =	shalt  }
0x80: {  	_ =	shalt  }
0x81: {  	_ =	shalt  }
0x82: {  	_ =	shalt  }
0x83: {  	_ =	shalt  }
0x84: {  	_ =	shalt  }
0x85: {  	_ =	shalt  }
0x86: {  	_ =	shalt  }
0x87: {  	_ =	shalt  }
.Lfunc_end0:
.L_simem_size_0:
called_computation_lowered:
.L_overlay_start_0:
0x88: {  	s2 =	sld [smem:$0x3FD9]  }
0x89: {  	s3 =	sld [smem:$0x3FFE];
	_ =	sdelay $0x1  }
0x8a: {  	s1 =	srdreg.scid  }
0x8b: {  	s0 =	sand.u32 $0x1, s1  }
0x8c: {  	s17 =	sshll.u32 s0, $0xA;
	s2 =	sadd.s32 s3, s2  }
0x8d: {  	s2 =	sadd.s32 s2, s17  }
0x8e: {  	[smem:$0x3FBB] =	sst s2  }
0x8f: {  	_ = 	snop  }
0x90: {  	s2 =	sld [smem:$0x3FD0];
	(tm) =	ssettm $0x1  }
0x91: {  	s18 =	sld [smem:$0x3FFB];
	_ =	sdelay $0x3  }
0x92: {  	_ =	strace s18  }
0x93: {  	s3 =	sld [smem:$0x3FFC];
	_ =	sdelay $0x3  }
0x94: {  	_ =	strace s3  }
0x95: {  	s3 =	sld [smem:$0x3FFD];
	_ =	sdelay $0x3  }
0x96: {  	_ =	strace s3  }
0x97: {  	_ =	strace $0x8FFFFFFF  }
0x98: {  	s19 =	sld [smem:$0x3FDB];
	_ =	sdelay $0x1  }
0x99: {  	s4 =	simm.s32 $_scs_section_size  }
0x9a: {  	s5 =	simm.s32 $_size__tile_overlayer_lowered;
	s6 =	simm.s32 $_tile_overlayer_lowered  }
0x9b: {  	s22 =	simm.s32 $0x1BFF;
	s21 =	sshll.u32 s6, $0x1;
	s3 =	sadd.s32 s4, s19  }
0x9c: {  	s7 =	simm.s32 $0x0;
	s20 =	sshll.u32 s5, $0x1;
	s5 =	sadd.s32 s21, s3  }
0x9d: {  	[timem:s7], [sflag:s22] =	dma.local [hbm:s5], s20  }
0x9e: {  	_ =	swait.ge [sflag:s22], s20  }
0x9f: {  	s4 =	ssub.s32 $0x0, s20;
	[sflag:s22] =	ssyncset.done $0x0  }
0xa0: {  	[sflag:s22] =	ssyncadd.s32 s4;
	_ =	sdelay $0x1  }
0xa1: {  	s23 =	simm.s32 $0x1B8B  }
0xa2: {  	_ =	swait.ge [sflag:s23], $0x1  }
0xa3: {  	[sflag:s23] =	ssyncset.done $0x0  }
0xa4: {  	s25 =	simm.s32 $0x1B8E;
	s24 =	sld [smem:$0x3FFE];
	[sflag:s23] =	ssyncadd.s32 $0xFFFFFFFF  }
0xa5: {  	s26 =	simm.s32 $execute0_lowered;
	[smem:$0x3FD2] =	sst s25  }
0xa6: {  	s5 =	sshll.u32 s26, $0x1;
	_ =	strace $0x80000046;
	[dreg:$0x1] =	wrdreg $0xFFFFFFFF  }
0xa7: {  	s28 =	simm.s32 $_size_execute0_lowered;
	s3 =	sadd.s32 s3, s5;
	[dreg:$0x0] =	wrdreg $0x0  }
0xa8: {  	s5 =	sshll.u32 s28, $0x1;
	[dreg:$0x2] =	wrdreg s3  }
0xa9: {  	[dreg:$0x3] =	wrdreg s5  }
0xaa: {  	[dreg:$0x4] =	wrdreg $0xC0  }
0xab: {  	_ =	task [dreg:s7], $0x5FFFF  }
0xac: {  	[dreg:$0x1] =	wrdreg $0xFFFFFFFF  }
0xad: {  	[dreg:$0x0] =	wrdreg $0x60  }
0xae: {  	[dreg:$0x2] =	wrdreg s2  }
0xaf: {  	[dreg:$0x3] =	wrdreg s24  }
0xb0: {  	[dreg:$0x4] =	wrdreg $0x9  }
0xb1: {  	_ =	task.clear_ibuf [dreg:s7], $0x5FFFF;
	_ =	strace $0x90000046  }
0xb2: {  	s29 =	simm.s32 $0x9;
	_ =	strace $0x80000048  }
0xb3: {  	_ =	swait.ge [sflag:s29], $0x1  }
0xb4: {  	[sflag:s29] =	ssyncadd.s32 $0xFFFFFFFF  }
0xb5: {  	_ =	strace $0x90000048  }
0xb6: {  	_ =	sfence  }
0xb7: {  	s30 =	sld [smem:$0x0];
	_ =	sdelay $0x2  }
0xb8: {  	s31 =	sshll.u32 s1, $0xD;
	s1 =	sshrl.u32 s1, $0x2  }
0xb9: {  	s3 =	sand.u32 $0x4000, s31;
	s1 =	sadd.s32 s1, s30  }
0xba: {  	s0 =	sor.u32 s3, s0;
	s1 =	sshll.u32 s1, $0x11  }
0xbb: {  	s0 =	sor.u32 s1, s0  }
0xbc: {  	s0 =	sadd.s32 $0x8F2B, s0  }
0xbd: {  	[sflag:s0] =	ssyncadd.remote.s32 $0x1  }
0xbe: {  	_ =	sfence.sel $0xFFFF  }
0xbf: {  	[dreg:$0x0] =	wrdreg $0xFFFFFFFF;
	(pc) =	sbr.abs _section_cstart, $3  }
0xc0: {  	[dreg:$0x1] =	wrdreg $0xFFFFFFFF  }
0xc1: {  	_ =	task.clear_ibuf [dreg:s7], $0x2FFFF;
	_ =	strace $0x9FFFFFFF  }
0xc2: {  	(tm) =	ssettm $0x7FFFFFFF  }
0xc3: {  	_ =	shalt  }
tec
execute0_lowered:
.L_overlay_start_1:
0x0: {  	(tag) =	ssettag $0x1  }
0x1: {  	s1 =	rddreg [dreg:$0x0]  }
0x2: {  	s9 =	rddreg [dreg:$0x1]  }
0x3: {  	s0 =	rddreg [dreg:$0x2];
	s2 =	simm.s32 $0x0;
	s6 =	srdreg.scid  }
0x4: {  	s13 =	simm.s32 $0x3;
	s14 =	simm.s32 $0x80;
	s15 =	simm.s32 $0x50  }
0x5: {  	v0 =	vlaneseq.u32;
	s16 =	simm.s32 $0x100;
	s17 =	simm.s32 $0x2900;
	s18 =	simm.s32 $0x1  }
0x6: {  	s19 =	simm.s32 $0x2;
	s20 =	simm.s32 $0xC680;
	s21 =	simm.s32 $0x0;
	v0 =	vmul.u32 $0x8, v0  }
0x7: {  	[smem:$0x7FF] =	sst s2;
	s3 =	sadd.s32 $0x17C00, s9;
	s4 =	sadd.s32 $0x16C00, s9  }
0x8: {  	v1 =	vimm.f32 $0.0e+00;
	s5 =	sadd.s32 $0xCE00, s9;
	s10 =	sand.u32 $0x1, s6;
	s7 =	sadd.s32 $0x3000, s9;
	v2 =	vor.u32 $0x1, v0;
	v3 =	vor.u32 $0x2, v0  }
0x9: {  	s8 =	sadd.s32 $0x8D000, s9;
	s6 =	stileid.u32;
	s11 =	ssub.s32 $0x2, s10;
	v4 =	vor.u32 $0x80, v0;
	v5 =	vor.u32 $0x81, v0;
	v6 =	vor.u32 $0x82, v0  }
0xa: {  	s9 =	sadd.s32 $0x3EE00, s9;
	s10 =	sshll.u32 s10, $0x4;
	s12 =	sshrl.u32 s11, $0x1;
	v7 =	vor.u32 $0x100, v0;
	v8 =	vor.u32 $0x101, v0;
	v9 =	vor.u32 $0x102, v0  }
0xb: {  	_ =	strace $0x80000047;
	s10 =	sor.u32 s6, s10;
	v10 =	vor.u32 $0x180, v0;
	v11 =	vor.u32 $0x181, v0;
	v12 =	vor.u32 $0x182, v0;
	s11 =	ssub.s32 s11, s12  }
0xc: {  	v13 =	vor.u32 $0x200, v0;
	v14 =	vor.u32 $0x201, v0;
	v15 =	vor.u32 $0x202, v0;
	s10 =	smul.u32 $0x2710, s10;
	s12 =	simm.s32 $0x5100;
	s11 =	smax.u32 s11, $0x1  }
.LBB2_1:
0xd: {  	[tilespmem:s12], [sflag:$0x3] =	stream.linear.gather [hbm4b:s4+s2], $0x7580, $0x38;
	[tilespmem:$0xC900] =	vst v63  }
0xe: {  	_ =	swait.ge [sflag:s13], $0x7580  }
0xf: {  	[sflag:s13] =	ssyncset.done $0x0  }
0x10: {  	[sflag:s13] =	ssyncadd.s32 $0xFFFF8A80  }
0x11: {  	[tilespmem:$0xC680] =	vst v1  }
0x12: {  	[tilespmem:$0xC690] =	vst v1  }
0x13: {  	[tilespmem:$0xC6A0] =	vst v1  }
0x14: {  	[tilespmem:$0xC6B0] =	vst v1  }
0x15: {  	[tilespmem:$0xC6C0] =	vst v1  }
0x16: {  	[tilespmem:$0xC6D0] =	vst v1  }
0x17: {  	[tilespmem:$0xC6E0] =	vst v1  }
0x18: {  	[tilespmem:$0xC6F0] =	vst v1  }
0x19: {  	[tilespmem:$0xC700] =	vst v1  }
0x1a: {  	[tilespmem:$0xC710] =	vst v1  }
0x1b: {  	[tilespmem:$0xC720] =	vst v1  }
0x1c: {  	[tilespmem:$0xC730] =	vst v1  }
0x1d: {  	[tilespmem:$0xC740] =	vst v1  }
0x1e: {  	[tilespmem:$0xC750] =	vst v1  }
0x1f: {  	[tilespmem:$0xC760] =	vst v1  }
0x20: {  	[tilespmem:$0xC770] =	vst v1  }
0x21: {  	[tilespmem:$0xC780] =	vst v1  }
0x22: {  	[tilespmem:$0xC790] =	vst v1  }
0x23: {  	[tilespmem:$0xC7A0] =	vst v1  }
0x24: {  	[tilespmem:$0xC7B0] =	vst v1  }
0x25: {  	[tilespmem:$0xC7C0] =	vst v1  }
0x26: {  	[tilespmem:$0xC7D0] =	vst v1  }
0x27: {  	[tilespmem:$0xC7E0] =	vst v1  }
0x28: {  	[tilespmem:$0xC7F0] =	vst v1  }
0x29: {  	[tilespmem:$0xC800] =	vst v1  }
0x2a: {  	[tilespmem:$0xC810] =	vst v1  }
0x2b: {  	[tilespmem:$0xC820] =	vst v1  }
0x2c: {  	[tilespmem:$0xC830] =	vst v1  }
0x2d: {  	[tilespmem:$0xC840] =	vst v1  }
0x2e: {  	[tilespmem:$0xC850] =	vst v1  }
0x2f: {  	[tilespmem:$0xC860] =	vst v1  }
0x30: {  	[tilespmem:$0xC870] =	vst v1  }
0x31: {  	[tilespmem:$0xC880] =	vst v1  }
0x32: {  	[tilespmem:$0xC890] =	vst v1  }
0x33: {  	[tilespmem:$0xC8A0] =	vst v1  }
0x34: {  	[tilespmem:$0xC8B0] =	vst v1  }
0x35: {  	[tilespmem:$0xC8C0] =	vst v1  }
0x36: {  	[tilespmem:$0xC8D0] =	vst v1  }
0x37: {  	[tilespmem:$0xC8E0] =	vst v1  }
0x38: {  	s22 =	simm.s32 $0x0;
	[tilespmem:$0xC8F0] =	vst v1  }
.LBB2_2:
0x39: {  	s23 =	smul.u32 $0x50, s22;
	_ =	sdelay $0x1  }
0x3a: {  	s23 =	sadd.s32 s10, s23  }
0x3b: {  	s24 =	sshrl.u32 s23, $0x3  }
0x3c: {  	s26 =	simm.s32 $0x0;
	s25 =	sadd.s32 s5, s24  }
0x3d: {  	[tilespmem:s26], [sflag:$0x3] =	stream.linear.gather [hbm4b:s25+s26], $0x50, $0x38;
	[tilespmem:$0xC900] =	vst v63  }
0x3e: {  	_ =	swait.ge [sflag:s13], $0x50  }
0x3f: {  	[sflag:s13] =	ssyncset.done $0x0  }
0x40: {  	s24 =	sadd.s32 s7, s24;
	[sflag:s13] =	ssyncadd.s32 $0xFFFFFFB0  }
0x41: {  	[tilespmem:s14], [sflag:$0x3] =	stream.linear.gather [hbm4b:s24+s26], $0x50, $0x38;
	[tilespmem:$0xC900] =	vst v63  }
0x42: {  	_ =	swait.ge [sflag:s13], $0x50  }
0x43: {  	[sflag:s13] =	ssyncset.done $0x0  }
0x44: {  	[sflag:s13] =	ssyncadd.s32 $0xFFFFFFB0  }
0x45: {  	[tilespmem:s16], [sflag:$0x1] =	stream.indirect.gather [hbm4b:s1+s15], $0x80, s26, s15, $0xb8;
	[tilespmem:$0xC900] =	vst v63  }
0x46: {  	_ = 	snop  }
0x47: {  	[tilespmem:s17], [sflag:$0x2] =	stream.indirect.gather [hbm4b:s3+s15], $0x80, s14, s15, $0xb8;
	[tilespmem:$0xC900] =	vst v63  }
0x48: {  	_ =	swait.ge [sflag:s18], $0x2800  }
0x49: {  	[sflag:s18] =	ssyncset.done $0x0  }
0x4a: {  	[sflag:s18] =	ssyncadd.s32 $0xFFFFD800  }
0x4b: {  	_ =	swait.ge [sflag:s19], $0x2800  }
0x4c: {  	[sflag:s19] =	ssyncset.done $0x0  }
0x4d: {  	[sflag:s19] =	ssyncadd.s32 $0xFFFFD800  }
0x4e: {  	v16 =	vld [tilespmem:$0x0]  }
0x4f: {  	v17 =	vld [tilespmem:$0x80];
	_ =	sdelay $0x3  }
0x50: {  	v16 =	vmul.u32 $0x3, v16  }
0x51: {  	v17 =	vmul.u32 $0x3, v17;
	_ =	sdelay $0x4  }
0x52: {  	v18 =	vld.idx.msk [tilespmem:v16+s12+$0x0], $0xffff  }
0x53: {  	v19 =	vld.idx.msk [tilespmem:v17+s12+$0x0], $0xffff;
	_ =	sdelay $0x4  }
0x54: {  	v18 =	vsub.f32 v19, v18  }
0x55: {  	v19 =	vadd.s32 $0x1, v16  }
0x56: {  	v21 =	vadd.s32 $0x1, v17;
	v20 =	vadd.f32 $1.000000000e+00, v18  }
0x57: {  	vm0 =	vlt.f32 v18, $0.0e+00  }
0x58: {  	v18 =	vsel vm0, v20, v18  }
0x59: {  	[tilespmem:v0+s20+$0x0] =	vst.idx.msk $0xffff, v18  }
0x5a: {  	v18 =	vld.idx.msk [tilespmem:v19+s12+$0x0], $0xffff  }
0x5b: {  	v19 =	vld.idx.msk [tilespmem:v21+s12+$0x0], $0xffff;
	_ =	sdelay $0x4  }
0x5c: {  	v18 =	vsub.f32 v19, v18  }
0x5d: {  	v16 =	vadd.s32 $0x2, v16  }
0x5e: {  	v17 =	vadd.s32 $0x2, v17;
	v19 =	vadd.f32 $1.000000000e+00, v18  }
0x5f: {  	vm14 =	vlt.f32 v18, $0.0e+00  }
0x60: {  	v18 =	vsel vm14, v19, v18  }
0x61: {  	[tilespmem:v2+s20+$0x0] =	vst.idx.msk $0xffff, v18  }
0x62: {  	v16 =	vld.idx.msk [tilespmem:v16+s12+$0x0], $0xffff  }
0x63: {  	v17 =	vld.idx.msk [tilespmem:v17+s12+$0x0], $0xffff;
	_ =	sdelay $0x4  }
0x64: {  	v16 =	vsub.f32 v17, v16;
	_ =	sdelay $0x1  }
0x65: {  	v17 =	vadd.f32 $1.000000000e+00, v16  }
0x66: {  	vm15 =	vlt.f32 v16, $0.0e+00  }
0x67: {  	v16 =	vsel vm15, v17, v16  }
0x68: {  	[tilespmem:v3+s20+$0x0] =	vst.idx.msk $0xffff, v16  }
0x69: {  	v16 =	vld [tilespmem:$0x10]  }
0x6a: {  	v17 =	vld [tilespmem:$0x90];
	_ =	sdelay $0x3  }
0x6b: {  	v16 =	vmul.u32 $0x3, v16  }
0x6c: {  	v17 =	vmul.u32 $0x3, v17;
	_ =	sdelay $0x4  }
0x6d: {  	v18 =	vld.idx.msk [tilespmem:v16+s12+$0x0], $0xffff  }
0x6e: {  	v19 =	vld.idx.msk [tilespmem:v17+s12+$0x0], $0xffff;
	_ =	sdelay $0x4  }
0x6f: {  	v18 =	vsub.f32 v19, v18  }
0x70: {  	v19 =	vadd.s32 $0x1, v16  }
0x71: {  	v21 =	vadd.s32 $0x1, v17;
	v20 =	vadd.f32 $1.000000000e+00, v18  }
0x72: {  	vm4 =	vlt.f32 v18, $0.0e+00  }
0x73: {  	v18 =	vsel vm4, v20, v18  }
0x74: {  	[tilespmem:v4+s20+$0x0] =	vst.idx.msk $0xffff, v18  }
0x75: {  	v18 =	vld.idx.msk [tilespmem:v19+s12+$0x0], $0xffff  }
0x76: {  	v19 =	vld.idx.msk [tilespmem:v21+s12+$0x0], $0xffff;
	_ =	sdelay $0x4  }
0x77: {  	v18 =	vsub.f32 v19, v18  }
0x78: {  	v16 =	vadd.s32 $0x2, v16  }
0x79: {  	v17 =	vadd.s32 $0x2, v17;
	v19 =	vadd.f32 $1.000000000e+00, v18  }
0x7a: {  	vm5 =	vlt.f32 v18, $0.0e+00  }
0x7b: {  	v18 =	vsel vm5, v19, v18  }
0x7c: {  	[tilespmem:v5+s20+$0x0] =	vst.idx.msk $0xffff, v18  }
0x7d: {  	v16 =	vld.idx.msk [tilespmem:v16+s12+$0x0], $0xffff  }
0x7e: {  	v17 =	vld.idx.msk [tilespmem:v17+s12+$0x0], $0xffff;
	_ =	sdelay $0x4  }
0x7f: {  	v16 =	vsub.f32 v17, v16;
	_ =	sdelay $0x1  }
0x80: {  	v17 =	vadd.f32 $1.000000000e+00, v16  }
0x81: {  	vm6 =	vlt.f32 v16, $0.0e+00  }
0x82: {  	v16 =	vsel vm6, v17, v16  }
0x83: {  	[tilespmem:v6+s20+$0x0] =	vst.idx.msk $0xffff, v16  }
0x84: {  	v16 =	vld [tilespmem:$0x20]  }
0x85: {  	v17 =	vld [tilespmem:$0xA0];
	_ =	sdelay $0x3  }
0x86: {  	v16 =	vmul.u32 $0x3, v16  }
0x87: {  	v17 =	vmul.u32 $0x3, v17;
	_ =	sdelay $0x4  }
0x88: {  	v18 =	vld.idx.msk [tilespmem:v16+s12+$0x0], $0xffff  }
0x89: {  	v19 =	vld.idx.msk [tilespmem:v17+s12+$0x0], $0xffff;
	_ =	sdelay $0x4  }
0x8a: {  	v18 =	vsub.f32 v19, v18  }
0x8b: {  	v19 =	vadd.s32 $0x1, v16  }
0x8c: {  	v21 =	vadd.s32 $0x1, v17;
	v20 =	vadd.f32 $1.000000000e+00, v18  }
0x8d: {  	vm7 =	vlt.f32 v18, $0.0e+00  }
0x8e: {  	v18 =	vsel vm7, v20, v18  }
0x8f: {  	[tilespmem:v7+s20+$0x0] =	vst.idx.msk $0xffff, v18  }
0x90: {  	v18 =	vld.idx.msk [tilespmem:v19+s12+$0x0], $0xffff  }
0x91: {  	v19 =	vld.idx.msk [tilespmem:v21+s12+$0x0], $0xffff;
	_ =	sdelay $0x4  }
0x92: {  	v18 =	vsub.f32 v19, v18  }
0x93: {  	v16 =	vadd.s32 $0x2, v16  }
0x94: {  	v17 =	vadd.s32 $0x2, v17;
	v19 =	vadd.f32 $1.000000000e+00, v18  }
0x95: {  	vm8 =	vlt.f32 v18, $0.0e+00  }
0x96: {  	v18 =	vsel vm8, v19, v18  }
0x97: {  	[tilespmem:v8+s20+$0x0] =	vst.idx.msk $0xffff, v18  }
0x98: {  	v16 =	vld.idx.msk [tilespmem:v16+s12+$0x0], $0xffff  }
0x99: {  	v17 =	vld.idx.msk [tilespmem:v17+s12+$0x0], $0xffff;
	_ =	sdelay $0x4  }
0x9a: {  	v16 =	vsub.f32 v17, v16;
	_ =	sdelay $0x1  }
0x9b: {  	v17 =	vadd.f32 $1.000000000e+00, v16  }
0x9c: {  	vm9 =	vlt.f32 v16, $0.0e+00  }
0x9d: {  	v16 =	vsel vm9, v17, v16  }
0x9e: {  	[tilespmem:v9+s20+$0x0] =	vst.idx.msk $0xffff, v16  }
0x9f: {  	v16 =	vld [tilespmem:$0x30]  }
0xa0: {  	v17 =	vld [tilespmem:$0xB0];
	_ =	sdelay $0x3  }
0xa1: {  	v16 =	vmul.u32 $0x3, v16  }
0xa2: {  	v17 =	vmul.u32 $0x3, v17;
	_ =	sdelay $0x4  }
0xa3: {  	v18 =	vld.idx.msk [tilespmem:v16+s12+$0x0], $0xffff  }
0xa4: {  	v19 =	vld.idx.msk [tilespmem:v17+s12+$0x0], $0xffff;
	_ =	sdelay $0x4  }
0xa5: {  	v18 =	vsub.f32 v19, v18  }
0xa6: {  	v19 =	vadd.s32 $0x1, v16  }
0xa7: {  	v21 =	vadd.s32 $0x1, v17;
	v20 =	vadd.f32 $1.000000000e+00, v18  }
0xa8: {  	vm10 =	vlt.f32 v18, $0.0e+00  }
0xa9: {  	v18 =	vsel vm10, v20, v18  }
0xaa: {  	[tilespmem:v10+s20+$0x0] =	vst.idx.msk $0xffff, v18  }
0xab: {  	v18 =	vld.idx.msk [tilespmem:v19+s12+$0x0], $0xffff  }
0xac: {  	v19 =	vld.idx.msk [tilespmem:v21+s12+$0x0], $0xffff;
	_ =	sdelay $0x4  }
0xad: {  	v18 =	vsub.f32 v19, v18  }
0xae: {  	v16 =	vadd.s32 $0x2, v16  }
0xaf: {  	v17 =	vadd.s32 $0x2, v17;
	v19 =	vadd.f32 $1.000000000e+00, v18  }
0xb0: {  	vm11 =	vlt.f32 v18, $0.0e+00  }
0xb1: {  	v18 =	vsel vm11, v19, v18  }
0xb2: {  	[tilespmem:v11+s20+$0x0] =	vst.idx.msk $0xffff, v18  }
0xb3: {  	v16 =	vld.idx.msk [tilespmem:v16+s12+$0x0], $0xffff  }
0xb4: {  	v17 =	vld.idx.msk [tilespmem:v17+s12+$0x0], $0xffff;
	_ =	sdelay $0x4  }
0xb5: {  	v16 =	vsub.f32 v17, v16;
	_ =	sdelay $0x1  }
0xb6: {  	v17 =	vadd.f32 $1.000000000e+00, v16  }
0xb7: {  	vm12 =	vlt.f32 v16, $0.0e+00  }
0xb8: {  	v16 =	vsel vm12, v17, v16  }
0xb9: {  	[tilespmem:v12+s20+$0x0] =	vst.idx.msk $0xffff, v16  }
0xba: {  	v16 =	vld [tilespmem:$0x40]  }
0xbb: {  	v17 =	vld [tilespmem:$0xC0];
	_ =	sdelay $0x3  }
0xbc: {  	v16 =	vmul.u32 $0x3, v16  }
0xbd: {  	v17 =	vmul.u32 $0x3, v17;
	_ =	sdelay $0x4  }
0xbe: {  	v18 =	vld.idx.msk [tilespmem:v16+s12+$0x0], $0xffff  }
0xbf: {  	v19 =	vld.idx.msk [tilespmem:v17+s12+$0x0], $0xffff;
	_ =	sdelay $0x4  }
0xc0: {  	v18 =	vsub.f32 v19, v18  }
0xc1: {  	v19 =	vadd.s32 $0x1, v16  }
0xc2: {  	v21 =	vadd.s32 $0x1, v17;
	v20 =	vadd.f32 $1.000000000e+00, v18  }
0xc3: {  	vm13 =	vlt.f32 v18, $0.0e+00  }
0xc4: {  	v18 =	vsel vm13, v20, v18  }
0xc5: {  	[tilespmem:v13+s20+$0x0] =	vst.idx.msk $0xffff, v18  }
0xc6: {  	v18 =	vld.idx.msk [tilespmem:v19+s12+$0x0], $0xffff  }
0xc7: {  	v19 =	vld.idx.msk [tilespmem:v21+s12+$0x0], $0xffff;
	_ =	sdelay $0x4  }
0xc8: {  	v18 =	vsub.f32 v19, v18  }
0xc9: {  	v16 =	vadd.s32 $0x2, v16  }
0xca: {  	v17 =	vadd.s32 $0x2, v17;
	v19 =	vadd.f32 $1.000000000e+00, v18  }
0xcb: {  	vm14 =	vlt.f32 v18, $0.0e+00  }
0xcc: {  	v18 =	vsel vm14, v19, v18  }
0xcd: {  	[tilespmem:v14+s20+$0x0] =	vst.idx.msk $0xffff, v18  }
0xce: {  	v16 =	vld.idx.msk [tilespmem:v16+s12+$0x0], $0xffff  }
0xcf: {  	v17 =	vld.idx.msk [tilespmem:v17+s12+$0x0], $0xffff;
	_ =	sdelay $0x4  }
0xd0: {  	v16 =	vsub.f32 v17, v16;
	_ =	sdelay $0x1  }
0xd1: {  	v17 =	vadd.f32 $1.000000000e+00, v16  }
0xd2: {  	vm15 =	vlt.f32 v16, $0.0e+00  }
0xd3: {  	v16 =	vsel vm15, v17, v16  }
0xd4: {  	s24 =	simm.s32 $0x0;
	[tilespmem:v15+s20+$0x0] =	vst.idx.msk $0xffff, v16  }
0xd5: {  	v23 =	vld [tilespmem:s24+$0x2900]  }
0xd6: {  	v27 =	vld [tilespmem:s24+$0x2910]  }
0xd7: {  	v21 =	vld [tilespmem:s24+$0x2920]  }
0xd8: {  	v20 =	vld [tilespmem:s24+$0x2930]  }
0xd9: {  	v19 =	vld [tilespmem:s24+$0x2940]  }
0xda: {  	v18 =	vld [tilespmem:s24+$0x2950]  }
0xdb: {  	v17 =	vld [tilespmem:s24+$0x2960]  }
0xdc: {  	v16 =	vld [tilespmem:s24+$0x2970]  }
0xdd: {  	v28 =	vld [tilespmem:s24+$0x100]  }
0xde: {  	v29 =	vld [tilespmem:s24+$0x110]  }
0xdf: {  	v26 =	vld [tilespmem:s24+$0x120]  }
0xe0: {  	v25 =	vld [tilespmem:s24+$0x130]  }
0xe1: {  	v24 =	vld [tilespmem:s24+$0x140]  }
0xe2: {  	v22 =	vld [tilespmem:s24+$0x150];
	v28 =	vadd.f32 v23, v28  }
0xe3: {  	s25 =	simm.s32 $0x200;
	v27 =	vadd.f32 v27, v29;
	v23 =	vld [tilespmem:s24+$0x160]  }
.LBB2_3:
0xe4: {  	s26 =	sshra.s32 s25, $0x2;
	p0 =	sne.s32 s25, $0x9E00;
	[tilespmem:s24+$0x100] =	vst v28;
	v21 =	vadd.f32 v21, v26;
	v26 =	vld [tilespmem:s24+$0x170]  }
0xe5: {  	v28 =	vld [tilespmem:s26+$0x2900];
	[tilespmem:s24+$0x110] =	vst v27;
	v20 =	vadd.f32 v20, v25  }
0xe6: {  	v27 =	vld [tilespmem:s26+$0x2910];
	[tilespmem:s24+$0x120] =	vst v21;
	v19 =	vadd.f32 v19, v24  }
0xe7: {  	v21 =	vld [tilespmem:s26+$0x2920];
	[tilespmem:s24+$0x130] =	vst v20;
	v18 =	vadd.f32 v18, v22  }
0xe8: {  	v20 =	vld [tilespmem:s26+$0x2930];
	[tilespmem:s24+$0x140] =	vst v19;
	v17 =	vadd.f32 v17, v23  }
0xe9: {  	v19 =	vld [tilespmem:s26+$0x2940];
	[tilespmem:s24+$0x150] =	vst v18;
	v16 =	vadd.f32 v16, v26  }
0xea: {  	v18 =	vld [tilespmem:s26+$0x2950];
	[tilespmem:s24+$0x160] =	vst v17  }
0xeb: {  	v17 =	vld [tilespmem:s26+$0x2960];
	[tilespmem:s24+$0x170] =	vst v16;
	s24 =	smov.u32 s26  }
0xec: {  	v16 =	vld [tilespmem:s24+$0x2970]  }
0xed: {  	v22 =	vld [tilespmem:s24+$0x100]  }
0xee: {  	v23 =	vld [tilespmem:s24+$0x110]  }
.Ltmp0:
0xef: {  	v26 =	vld [tilespmem:s24+$0x120];
	(pc) =	sbr.rel @p0 .LBB2_3-.Ltmp0, $4  }
0xf0: {  	v25 =	vld [tilespmem:s24+$0x130]  }
0xf1: {  	v24 =	vld [tilespmem:s24+$0x140]  }
0xf2: {  	v28 =	vadd.f32 v28, v22;
	v22 =	vld [tilespmem:s24+$0x150]  }
0xf3: {  	s25 =	sadd.s32 $0x200, s25;
	v27 =	vadd.f32 v27, v23;
	v23 =	vld [tilespmem:s24+$0x160]  }
0xf4: {  	[tilespmem:s24+$0x100] =	vst v28;
	v21 =	vadd.f32 v21, v26;
	v63 =	vld [tilespmem:s24+$0x170]  }
0xf5: {  	[tilespmem:s24+$0x110] =	vst v27;
	v20 =	vadd.f32 v20, v25  }
0xf6: {  	[tilespmem:s24+$0x120] =	vst v21;
	v19 =	vadd.f32 v19, v24  }
0xf7: {  	[tilespmem:s24+$0x130] =	vst v20;
	v18 =	vadd.f32 v18, v22  }
0xf8: {  	[tilespmem:s24+$0x140] =	vst v19;
	v17 =	vadd.f32 v17, v23  }
0xf9: {  	[tilespmem:s24+$0x150] =	vst v18;
	v16 =	vadd.f32 v16, v63  }
0xfa: {  	s25 =	sshll.u32 s23, $0x4;
	[tilespmem:s24+$0x160] =	vst v17  }
0xfb: {  	s30 =	sadd.s32 s8, s25;
	[tilespmem:s24+$0x170] =	vst v16  }
0xfc: {  	[hbm4b:s30+s2] =	stream.linear.scatter [tilespmem:s16], [sflag:$0x3], $0x2800, $0x38;
	[tilespmem:$0xC900] =	vst v63  }
0xfd: {  	s22 =	sadd.s32 $0x1, s22;
	_ =	swait.ge [sflag:s13], $0x2800  }
0xfe: {  	p0 =	sne.s32 s22, $0x7D;
	[sflag:s13] =	ssyncset.done $0x0  }
.Ltmp1:
0xff: {  	s31 =	sadd.s32 s9, s23;
	[sflag:s13] =	ssyncadd.s32 $0xFFFFD800;
	(pc) =	sbr.rel @p0 .LBB2_2-.Ltmp1, $4  }
0x100: {  	[hbm4b:s31+s2] =	stream.linear.scatter [tilespmem:s20], [sflag:$0x3], $0x280, $0x38;
	[tilespmem:$0xC900] =	vst v63  }
0x101: {  	_ =	swait.ge [sflag:s13], $0x280  }
0x102: {  	[sflag:s13] =	ssyncset.done $0x0  }
0x103: {  	[sflag:s13] =	ssyncadd.s32 $0xFFFFFD80  }
0x104: {  	s21 =	sadd.s32 $0x1, s21  }
0x105: {  	p0 =	sne.s32 s21, s11  }
.Ltmp2:
0x106: {  	_ = 	snop;
	(pc) =	sbr.rel @p0 .LBB2_1-.Ltmp2, $1  }
0x107: {  	_ =	sdelay $0x3  }
0x108: {  	_ =	sfence.sel $0x180000  }
0x109: {  	[bflag:$0x0] =	sbarrier.arrive $0xFFFF  }
0x10a: {  	p0 =	sne.s32 s6, $0x0;
	_ =	strace $0x90000047  }
0x10b: {  	s0 =	sadd.s32 @!p0 $0x100000, s0;
	[bflag:$0x2] =	sbarrier.arrive $0xFFFF  }
0x10c: {  	[sflag:s0] =	ssyncadd.tile.s32 @!p0 $0x1;
	_ =	shalt  }
.Lfunc_end2:
_tile_overlayer_lowered:
.L_overlay_start_2:
0x10d: {  	(tag) =	ssettag $0x2  }
0x10e: {  	s0 =	rddreg [dreg:$0x0];
	s2 =	stileid.u32  }
0x10f: {  	s1 =	rddreg [dreg:$0x1];
	p0 =	sne.s32 s2, $0x0  }
0x110: {  	s3 =	rddreg [dreg:$0x2];
	[bflag:$0x3] =	sbarrier.arrive $0xFFFF;
	s2 =	simm.s32 @!p0 $0x1C03  }
0x111: {  	[timem:s3], [sflag:s2] =	dma.local @!p0 [hbm:s0], s1  }
0x112: {  	s0 =	simm.s32 @!p0 $0x3  }
0x113: {  	_ =	swait.ge @!p0 [sflag:s0], s1  }
0x114: {  	s1 =	ssub.s32 @!p0 $0x0, s1;
	[sflag:s0] =	ssyncset.done @!p0 $0x0  }
0x115: {  	[sflag:s0] =	ssyncadd.s32 @!p0 s1  }
0x116: {  	[bflag:$0x3] =	sbarrier.arrive $0xFFFF  }
0x117: {  	_ =	shalt  }

</sc_bundles>
